<compile_context>
chip_gen: v7x
topology: tpu7x:2x2x1
jax: 0.10.2.dev20260603
libtpu: 0.0.44.dev20260713+nightly
codegen_flags: <defaults>
</compile_context>

<pallas_src>
import functools

import jax
import jax.numpy as jnp
import numpy as np
from jax import lax
from jax.experimental import pallas as pl
from jax.experimental.pallas import tpu as pltpu
from jax.experimental.pallas import tpu_sc as plsc

_LEVELS = [8, 8, 8, 5, 5, 5]
_D = 6
_B, _S = 256, 1024
_N = _B * _S
_CB = int(np.prod(_LEVELS))
_NC, _NS = 2, 16
_NW = _NC * _NS
_ROWS_PER_BLK = 64

_BASES = [int(np.prod(_LEVELS[i + 1:])) for i in range(_D - 1)] + [1]


def _tc_flat_body(z_ref, flat_ref):
    acc = None
    for k in range(_D):
        lvl = _LEVELS[k]
        half = float(lvl // 2)
        x = jnp.tanh(z_ref[k]) * half
        q = jnp.round(x)
        digit = jnp.minimum(jnp.maximum(q + half, 0.0), float(lvl - 1))
        term = digit * float(_BASES[k])
        acc = term if acc is None else acc + term
    flat_ref[...] = acc.astype(jnp.int32)


def _tc_flat(zp):
    rows = 128
    grid = (_B // rows,)
    slab_spec = pl.BlockSpec((_D, rows, _S), lambda i: (0, i, 0))
    flat_spec = pl.BlockSpec((rows, _S), lambda i: (i, 0))
    return pl.pallas_call(
        _tc_flat_body,
        grid=grid,
        in_specs=[slab_spec],
        out_specs=flat_spec,
        out_shape=jax.ShapeDtypeStruct((_B, _S), jnp.int32),
    )(zp)


def _tc_zq_body(z_ref, zq_ref):
    for k in range(_D):
        lvl = _LEVELS[k]
        half = float(lvl // 2)
        x = jnp.tanh(z_ref[k]) * half
        zq_ref[k] = jnp.round(x) * (1.0 / lvl)


def _tc_zq(zp):
    grid = (_B // _ROWS_PER_BLK,)
    slab_spec = pl.BlockSpec((_D, _ROWS_PER_BLK, _S), lambda i: (0, i, 0))
    return pl.pallas_call(
        _tc_zq_body,
        grid=grid,
        in_specs=[slab_spec],
        out_specs=slab_spec,
        out_shape=jax.ShapeDtypeStruct((_D, _B, _S), jnp.float32),
    )(zp)


@functools.cache
def _sc_hist_kernel():
    return pl.kernel(
        _sc_hist_body,
        out_type=jax.ShapeDtypeStruct((_NC, _CB), jnp.float32),
        mesh=plsc.VectorSubcoreMesh(core_axis_name="c", subcore_axis_name="s",
                                    num_cores=_NC, num_subcores=_NS),
        compiler_params=pltpu.CompilerParams(needs_layout_passes=False),
        scratch_types=[
            pltpu.VMEM((64, 128), jnp.int32),
            pltpu.VMEM((128,), jnp.float32),
            pltpu.VMEM_SHARED((_CB,), jnp.float32),
            pltpu.SemaphoreType.DMA,
        ],
    )


def _sc_hist_body(idx_hbm, zeros_hbm, hist_hbm, idx_v, ones_v, hist_sh, sem):
    c = lax.axis_index("c")
    s = lax.axis_index("s")
    wid = s * _NC + c

    @pl.when(s == 0)
    def _zero():
        pltpu.sync_copy(zeros_hbm, hist_sh)

    pltpu.sync_copy(idx_hbm.at[wid], idx_v)

    ones16 = jnp.full((16,), 1.0, jnp.float32)
    for k in range(8):
        ones_v[pl.ds(k * 16, 16)] = ones16

    plsc.subcore_barrier()

    def fire(j, carry):
        for k in range(16):
            pltpu.async_copy(ones_v, hist_sh.at[idx_v.at[j * 16 + k]],
                             sem, add=True)
        return carry

    lax.fori_loop(0, 4, fire, 0)

    def drain(j, carry):
        for k in range(16):
            pltpu.make_async_copy(ones_v, hist_sh.at[idx_v.at[j * 16 + k]],
                                  sem).wait()
        return carry

    lax.fori_loop(0, 4, drain, 0)

    plsc.subcore_barrier()

    @pl.when(s == 0)
    def _flush():
        pltpu.sync_copy(hist_sh, hist_hbm.at[c])


def _tc_ppl_body(hist_ref, out_ref):
    h = hist_ref[...]
    tot = h[0:1, :] + h[1:2, :]
    e = tot * (1.0 / _N)
    ent = jnp.sum(e * jnp.log(e + 1e-8))
    out_ref[...] = jnp.exp(-ent) * jnp.ones((1, 1), jnp.float32)


def _tc_ppl(hist):
    return pl.pallas_call(
        _tc_ppl_body,
        out_shape=jax.ShapeDtypeStruct((1, 1), jnp.float32),
    )(hist)


def kernel(z):
    zp = z.transpose(2, 0, 1)
    flat = _tc_flat(zp)
    zeros = jnp.zeros((_CB,), jnp.float32)
    hist = _sc_hist_kernel()(flat.reshape(_NW, 64, 128), zeros)
    zqp = _tc_zq(zp)
    perplexity = _tc_ppl(hist)[0, 0]
    z_q = zqp.transpose(1, 2, 0)
    return (z_q, flat, perplexity)

# --- scband reference (transcript-rebuilt; emitter-appended) ---
"""Pipeline reference for scband-fsq-41455024341706 (READ-ONLY COPY).

The authoritative reference and input builder live on the scoring server;
editing this copy changes nothing except your own understanding.
"""

import jax, jax.numpy as jnp
import numpy as np

LEVELS = [8, 8, 8, 5, 5, 5]


def setup_inputs(seed: int = 0) -> dict:
    key = jax.random.key(seed)
    z = jax.random.normal(key, (256, 1024, 6), dtype=jnp.float32)
    return {"z": z}


def reference(z):
    levels = jnp.array(LEVELS, dtype=jnp.float32)
    embedding_dim = len(LEVELS)
    codebook_size = int(np.prod(LEVELS))
    bases_list = [int(np.prod(LEVELS[i + 1:])) for i in range(len(LEVELS) - 1)] + [1]
    bases = jnp.array(bases_list, dtype=jnp.int32)
    index_offset = jnp.floor(levels / 2.0)

    z_tanh = jnp.tanh(z)
    x = z_tanh * jnp.floor(levels / 2.0)
    x_quantized = jnp.round(x)
    # STE: forward value is x_quantized, gradient flows through x
    z_q = x + jax.lax.stop_gradient(x_quantized - x)
    z_q = z_q / levels

    indices_unclamped = (x_quantized + index_offset).astype(jnp.int32)
    max_indices = (levels - 1.0).astype(jnp.int32)
    indices_per_dim = jnp.maximum(jnp.minimum(indices_unclamped, max_indices), 0)

    original_shape = indices_per_dim.shape
    indices_per_dim_flat = indices_per_dim.reshape(-1, embedding_dim)
    flat_indices = jnp.sum(indices_per_dim_flat * bases, axis=1)

    codebook_counts = jnp.bincount(flat_indices, length=codebook_size)
    e_mean = codebook_counts.astype(jnp.float32) / flat_indices.size
    perplexity = jnp.exp(-jnp.sum(e_mean * jnp.log(e_mean + 1e-08)))

    indices = flat_indices.reshape(original_shape[:-1])
    return (z_q, indices, perplexity)

if __name__ == "__main__":
    import jax
    _d = setup_inputs()
    print(jax.jit(kernel)(*tuple(_d.values())))

</pallas_src>

<mosaic_0001>
#map = affine_map<(d0, d1) -> (0, 0, 0)>
#map1 = affine_map<(d0, d1) -> (0)>
#map2 = affine_map<(d0, d1) -> (0, 0)>
module attributes {stable_mosaic.version = 14 : i64} {
  func.func @_sc_hist_body(%arg0: i32, %arg1: i32, %arg2: memref<32x64x128xi32, #tpu.memory_space<hbm>>, %arg3: memref<64000xf32, #tpu.memory_space<hbm>>, %arg4: memref<2x64000xf32, #tpu.memory_space<hbm>>, %arg5: memref<64x128xi32, #tpu.memory_space<vmem>>, %arg6: memref<128xf32, #tpu.memory_space<vmem>>, %arg7: memref<64000xf32, #tpu.memory_space<vmem_shared>>, %arg8: memref<!tpu.dma_semaphore, #tpu.memory_space<semaphore_mem>>) attributes {dimension_semantics = [#tpu.dimension_semantics<core_parallel>, #tpu.dimension_semantics<subcore_parallel>], iteration_bounds = array<i64: 2, 16>, scalar_prefetch = 0 : i64, scratch_operands = 4 : i64, tpu.core_type = #tpu.core_type<sc_vector_subcore>, window_params = [{transform_indices = #map}, {transform_indices = #map1}, {transform_indices = #map2}]} {
    %mul3A = arith.constant 2 : i32
    %mul3A_0 = arith.muli %arg1, %mul3A : i32
    %add3A = arith.addi %mul3A_0, %arg0 : i32
    %eq3A = arith.constant 0 : i32
    %eq3A_1 = arith.cmpi eq, %arg1, %eq3A : i32
    %convert_element_type3A = arith.extui %eq3A_1 : i1 to i32
    %cond3A = arith.constant 0 : i32
    %cond3A_2 = arith.cmpi ne, %convert_element_type3A, %cond3A : i32
    scf.if %cond3A_2 {
      "tpu.region"() ({
        %run_scoped3A = tpu.sem_alloc : memref<!tpu.dma_semaphore, #tpu.memory_space<semaphore_mem>>
        tpu.enqueue_dma source(%arg3 : memref<64000xf32, #tpu.memory_space<hbm>>) target(%arg7 : memref<64000xf32, #tpu.memory_space<vmem_shared>>) target_semaphore(%run_scoped3A : memref<!tpu.dma_semaphore, #tpu.memory_space<semaphore_mem>>)
        tpu.wait_dma2 semaphore(%run_scoped3A : memref<!tpu.dma_semaphore, #tpu.memory_space<semaphore_mem>>) src(%arg3 : memref<64000xf32, #tpu.memory_space<hbm>>) dst(%arg7 : memref<64000xf32, #tpu.memory_space<vmem_shared>>)
        tpu.yield
      }) : () -> ()
    } else {
    }
    "tpu.region"() ({
      %run_scoped3A = tpu.sem_alloc : memref<!tpu.dma_semaphore, #tpu.memory_space<semaphore_mem>>
      %dma_start3A = arith.constant 0 : i32
      %dma_start3A_36 = arith.constant 0 : i32
      %dma_start3A_37 = tpu.memref_slice %arg2[%add3A, %dma_start3A, %dma_start3A_36] : memref<32x64x128xi32, #tpu.memory_space<hbm>> -> memref<1x64x128xi32, #tpu.memory_space<hbm>>
      %dma_start3A_38 = tpu.memref_squeeze %dma_start3A_37 : memref<1x64x128xi32, #tpu.memory_space<hbm>> -> memref<64x128xi32, #tpu.memory_space<hbm>>
      %dma_start3A_39 = arith.constant 0 : i32
      %dma_start3A_40 = arith.constant 0 : i32
      %dma_start3A_41 = tpu.memref_slice %arg2[%add3A, %dma_start3A_39, %dma_start3A_40] : memref<32x64x128xi32, #tpu.memory_space<hbm>> -> memref<1x64x128xi32, #tpu.memory_space<hbm>>
      %dma_start3A_42 = tpu.memref_squeeze %dma_start3A_41 : memref<1x64x128xi32, #tpu.memory_space<hbm>> -> memref<64x128xi32, #tpu.memory_space<hbm>>
      tpu.enqueue_dma source(%dma_start3A_42 : memref<64x128xi32, #tpu.memory_space<hbm>>) target(%arg5 : memref<64x128xi32, #tpu.memory_space<vmem>>) target_semaphore(%run_scoped3A : memref<!tpu.dma_semaphore, #tpu.memory_space<semaphore_mem>>)
      %dma_wait3A = arith.constant 0 : i32
      %dma_wait3A_43 = arith.constant 0 : i32
      %dma_wait3A_44 = tpu.memref_slice %arg2[%add3A, %dma_wait3A, %dma_wait3A_43] : memref<32x64x128xi32, #tpu.memory_space<hbm>> -> memref<1x64x128xi32, #tpu.memory_space<hbm>>
      %dma_wait3A_45 = tpu.memref_squeeze %dma_wait3A_44 : memref<1x64x128xi32, #tpu.memory_space<hbm>> -> memref<64x128xi32, #tpu.memory_space<hbm>>
      %dma_wait3A_46 = arith.constant 0 : i32
      %dma_wait3A_47 = arith.constant 0 : i32
      %dma_wait3A_48 = tpu.memref_slice %arg2[%add3A, %dma_wait3A_46, %dma_wait3A_47] : memref<32x64x128xi32, #tpu.memory_space<hbm>> -> memref<1x64x128xi32, #tpu.memory_space<hbm>>
      %dma_wait3A_49 = tpu.memref_squeeze %dma_wait3A_48 : memref<1x64x128xi32, #tpu.memory_space<hbm>> -> memref<64x128xi32, #tpu.memory_space<hbm>>
      tpu.wait_dma2 semaphore(%run_scoped3A : memref<!tpu.dma_semaphore, #tpu.memory_space<semaphore_mem>>) src(%dma_wait3A_49 : memref<64x128xi32, #tpu.memory_space<hbm>>) dst(%arg5 : memref<64x128xi32, #tpu.memory_space<vmem>>)
      tpu.yield
    }) : () -> ()
    %broadcast_in_dim3A = arith.constant 1.000000e+00 : f32
    %broadcast_in_dim3A_3 = vector.broadcast %broadcast_in_dim3A : f32 to vector<16xf32>
    %swap3A = arith.constant 0 : index
    %swap3A_4 = tpu.vector_load %arg6[%swap3A] {strides = array<i32>} : memref<128xf32, #tpu.memory_space<vmem>>, vector<16xf32>,
    tpu.vector_store %arg6[%swap3A], %broadcast_in_dim3A_3 {strides = array<i32>} : memref<128xf32, #tpu.memory_space<vmem>>, vector<16xf32>,
    %swap3A_5 = arith.constant 16 : index
    %swap3A_6 = tpu.vector_load %arg6[%swap3A_5] {strides = array<i32>} : memref<128xf32, #tpu.memory_space<vmem>>, vector<16xf32>,
    tpu.vector_store %arg6[%swap3A_5], %broadcast_in_dim3A_3 {strides = array<i32>} : memref<128xf32, #tpu.memory_space<vmem>>, vector<16xf32>,
    %swap3A_7 = arith.constant 32 : index
    %swap3A_8 = tpu.vector_load %arg6[%swap3A_7] {strides = array<i32>} : memref<128xf32, #tpu.memory_space<vmem>>, vector<16xf32>,
    tpu.vector_store %arg6[%swap3A_7], %broadcast_in_dim3A_3 {strides = array<i32>} : memref<128xf32, #tpu.memory_space<vmem>>, vector<16xf32>,
    %swap3A_9 = arith.constant 48 : index
    %swap3A_10 = tpu.vector_load %arg6[%swap3A_9] {strides = array<i32>} : memref<128xf32, #tpu.memory_space<vmem>>, vector<16xf32>,
    tpu.vector_store %arg6[%swap3A_9], %broadcast_in_dim3A_3 {strides = array<i32>} : memref<128xf32, #tpu.memory_space<vmem>>, vector<16xf32>,
    %swap3A_11 = arith.constant 64 : index
    %swap3A_12 = tpu.vector_load %arg6[%swap3A_11] {strides = array<i32>} : memref<128xf32, #tpu.memory_space<vmem>>, vector<16xf32>,
    tpu.vector_store %arg6[%swap3A_11], %broadcast_in_dim3A_3 {strides = array<i32>} : memref<128xf32, #tpu.memory_space<vmem>>, vector<16xf32>,
    %swap3A_13 = arith.constant 80 : index
    %swap3A_14 = tpu.vector_load %arg6[%swap3A_13] {strides = array<i32>} : memref<128xf32, #tpu.memory_space<vmem>>, vector<16xf32>,
    tpu.vector_store %arg6[%swap3A_13], %broadcast_in_dim3A_3 {strides = array<i32>} : memref<128xf32, #tpu.memory_space<vmem>>, vector<16xf32>,
    %swap3A_15 = arith.constant 96 : index
    %swap3A_16 = tpu.vector_load %arg6[%swap3A_15] {strides = array<i32>} : memref<128xf32, #tpu.memory_space<vmem>>, vector<16xf32>,
    tpu.vector_store %arg6[%swap3A_15], %broadcast_in_dim3A_3 {strides = array<i32>} : memref<128xf32, #tpu.memory_space<vmem>>, vector<16xf32>,
    %swap3A_17 = arith.constant 112 : index
    %swap3A_18 = tpu.vector_load %arg6[%swap3A_17] {strides = array<i32>} : memref<128xf32, #tpu.memory_space<vmem>>, vector<16xf32>,
    tpu.vector_store %arg6[%swap3A_17], %broadcast_in_dim3A_3 {strides = array<i32>} : memref<128xf32, #tpu.memory_space<vmem>>, vector<16xf32>,
    %barrier3A = arith.constant 0 : index
    tpu.barrier barrier_id(%barrier3A)
    %scan3A = arith.constant 0 : i32
    %scan3A_19 = arith.constant 0 : i32
    %scan3A_20 = arith.constant 4 : i32
    %scan3A_21 = arith.addi %scan3A_19, %scan3A_20 : i32
    %scan3A_22 = arith.constant 1 : i32
    scf.for %scan3A_36 = %scan3A_19 to %scan3A_21 step %scan3A_22  : i32 {
      %mul3A_37 = arith.constant 16 : i32
      %mul3A_38 = arith.muli %scan3A_36, %mul3A_37 : i32
      %add3A_39 = arith.constant 0 : i32
      %add3A_40 = arith.addi %mul3A_38, %add3A_39 : i32
      %dma_start3A = arith.constant 0 : i32
      %dma_start3A_41 = tpu.memref_slice %arg5[%add3A_40, %dma_start3A] : memref<64x128xi32, #tpu.memory_space<vmem>> -> memref<1x128xi32, #tpu.memory_space<vmem>>
      %dma_start3A_42 = tpu.memref_squeeze %dma_start3A_41 : memref<1x128xi32, #tpu.memory_space<vmem>> -> memref<128xi32, #tpu.memory_space<vmem>>
      %dma_start3A_43 = arith.constant 0 : i32
      %dma_start3A_44 = tpu.memref_slice %arg7[%dma_start3A_43] : memref<64000xf32, #tpu.memory_space<vmem_shared>> -> memref<64000xf32, #tpu.memory_space<vmem_shared>>
      tpu.enqueue_indirect_dma source(%arg6 : memref<128xf32, #tpu.memory_space<vmem>>) target(%dma_start3A_44 : memref<64000xf32, #tpu.memory_space<vmem_shared>>) offsets(%dma_start3A_42 : memref<128xi32, #tpu.memory_space<vmem>>) semaphore(%arg8 : memref<!tpu.dma_semaphore, #tpu.memory_space<semaphore_mem>>) {add = true}
      %mul3A_45 = arith.constant 16 : i32
      %mul3A_46 = arith.muli %scan3A_36, %mul3A_45 : i32
      %add3A_47 = arith.constant 1 : i32
      %add3A_48 = arith.addi %mul3A_46, %add3A_47 : i32
      %dma_start3A_49 = arith.constant 0 : i32
      %dma_start3A_50 = tpu.memref_slice %arg5[%add3A_48, %dma_start3A_49] : memref<64x128xi32, #tpu.memory_space<vmem>> -> memref<1x128xi32, #tpu.memory_space<vmem>>
      %dma_start3A_51 = tpu.memref_squeeze %dma_start3A_50 : memref<1x128xi32, #tpu.memory_space<vmem>> -> memref<128xi32, #tpu.memory_space<vmem>>
      %dma_start3A_52 = arith.constant 0 : i32
      %dma_start3A_53 = tpu.memref_slice %arg7[%dma_start3A_52] : memref<64000xf32, #tpu.memory_space<vmem_shared>> -> memref<64000xf32, #tpu.memory_space<vmem_shared>>
      tpu.enqueue_indirect_dma source(%arg6 : memref<128xf32, #tpu.memory_space<vmem>>) target(%dma_start3A_53 : memref<64000xf32, #tpu.memory_space<vmem_shared>>) offsets(%dma_start3A_51 : memref<128xi32, #tpu.memory_space<vmem>>) semaphore(%arg8 : memref<!tpu.dma_semaphore, #tpu.memory_space<semaphore_mem>>) {add = true}
      %mul3A_54 = arith.constant 16 : i32
      %mul3A_55 = arith.muli %scan3A_36, %mul3A_54 : i32
      %add3A_56 = arith.constant 2 : i32
      %add3A_57 = arith.addi %mul3A_55, %add3A_56 : i32
      %dma_start3A_58 = arith.constant 0 : i32
      %dma_start3A_59 = tpu.memref_slice %arg5[%add3A_57, %dma_start3A_58] : memref<64x128xi32, #tpu.memory_space<vmem>> -> memref<1x128xi32, #tpu.memory_space<vmem>>
      %dma_start3A_60 = tpu.memref_squeeze %dma_start3A_59 : memref<1x128xi32, #tpu.memory_space<vmem>> -> memref<128xi32, #tpu.memory_space<vmem>>
      %dma_start3A_61 = arith.constant 0 : i32
      %dma_start3A_62 = tpu.memref_slice %arg7[%dma_start3A_61] : memref<64000xf32, #tpu.memory_space<vmem_shared>> -> memref<64000xf32, #tpu.memory_space<vmem_shared>>
      tpu.enqueue_indirect_dma source(%arg6 : memref<128xf32, #tpu.memory_space<vmem>>) target(%dma_start3A_62 : memref<64000xf32, #tpu.memory_space<vmem_shared>>) offsets(%dma_start3A_60 : memref<128xi32, #tpu.memory_space<vmem>>) semaphore(%arg8 : memref<!tpu.dma_semaphore, #tpu.memory_space<semaphore_mem>>) {add = true}
      %mul3A_63 = arith.constant 16 : i32
      %mul3A_64 = arith.muli %scan3A_36, %mul3A_63 : i32
      %add3A_65 = arith.constant 3 : i32
      %add3A_66 = arith.addi %mul3A_64, %add3A_65 : i32
      %dma_start3A_67 = arith.constant 0 : i32
      %dma_start3A_68 = tpu.memref_slice %arg5[%add3A_66, %dma_start3A_67] : memref<64x128xi32, #tpu.memory_space<vmem>> -> memref<1x128xi32, #tpu.memory_space<vmem>>
      %dma_start3A_69 = tpu.memref_squeeze %dma_start3A_68 : memref<1x128xi32, #tpu.memory_space<vmem>> -> memref<128xi32, #tpu.memory_space<vmem>>
      %dma_start3A_70 = arith.constant 0 : i32
      %dma_start3A_71 = tpu.memref_slice %arg7[%dma_start3A_70] : memref<64000xf32, #tpu.memory_space<vmem_shared>> -> memref<64000xf32, #tpu.memory_space<vmem_shared>>
      tpu.enqueue_indirect_dma source(%arg6 : memref<128xf32, #tpu.memory_space<vmem>>) target(%dma_start3A_71 : memref<64000xf32, #tpu.memory_space<vmem_shared>>) offsets(%dma_start3A_69 : memref<128xi32, #tpu.memory_space<vmem>>) semaphore(%arg8 : memref<!tpu.dma_semaphore, #tpu.memory_space<semaphore_mem>>) {add = true}
      %mul3A_72 = arith.constant 16 : i32
      %mul3A_73 = arith.muli %scan3A_36, %mul3A_72 : i32
      %add3A_74 = arith.constant 4 : i32
      %add3A_75 = arith.addi %mul3A_73, %add3A_74 : i32
      %dma_start3A_76 = arith.constant 0 : i32
      %dma_start3A_77 = tpu.memref_slice %arg5[%add3A_75, %dma_start3A_76] : memref<64x128xi32, #tpu.memory_space<vmem>> -> memref<1x128xi32, #tpu.memory_space<vmem>>
      %dma_start3A_78 = tpu.memref_squeeze %dma_start3A_77 : memref<1x128xi32, #tpu.memory_space<vmem>> -> memref<128xi32, #tpu.memory_space<vmem>>
      %dma_start3A_79 = arith.constant 0 : i32
      %dma_start3A_80 = tpu.memref_slice %arg7[%dma_start3A_79] : memref<64000xf32, #tpu.memory_space<vmem_shared>> -> memref<64000xf32, #tpu.memory_space<vmem_shared>>
      tpu.enqueue_indirect_dma source(%arg6 : memref<128xf32, #tpu.memory_space<vmem>>) target(%dma_start3A_80 : memref<64000xf32, #tpu.memory_space<vmem_shared>>) offsets(%dma_start3A_78 : memref<128xi32, #tpu.memory_space<vmem>>) semaphore(%arg8 : memref<!tpu.dma_semaphore, #tpu.memory_space<semaphore_mem>>) {add = true}
      %mul3A_81 = arith.constant 16 : i32
      %mul3A_82 = arith.muli %scan3A_36, %mul3A_81 : i32
      %add3A_83 = arith.constant 5 : i32
      %add3A_84 = arith.addi %mul3A_82, %add3A_83 : i32
      %dma_start3A_85 = arith.constant 0 : i32
      %dma_start3A_86 = tpu.memref_slice %arg5[%add3A_84, %dma_start3A_85] : memref<64x128xi32, #tpu.memory_space<vmem>> -> memref<1x128xi32, #tpu.memory_space<vmem>>
      %dma_start3A_87 = tpu.memref_squeeze %dma_start3A_86 : memref<1x128xi32, #tpu.memory_space<vmem>> -> memref<128xi32, #tpu.memory_space<vmem>>
      %dma_start3A_88 = arith.constant 0 : i32
      %dma_start3A_89 = tpu.memref_slice %arg7[%dma_start3A_88] : memref<64000xf32, #tpu.memory_space<vmem_shared>> -> memref<64000xf32, #tpu.memory_space<vmem_shared>>
      tpu.enqueue_indirect_dma source(%arg6 : memref<128xf32, #tpu.memory_space<vmem>>) target(%dma_start3A_89 : memref<64000xf32, #tpu.memory_space<vmem_shared>>) offsets(%dma_start3A_87 : memref<128xi32, #tpu.memory_space<vmem>>) semaphore(%arg8 : memref<!tpu.dma_semaphore, #tpu.memory_space<semaphore_mem>>) {add = true}
      %mul3A_90 = arith.constant 16 : i32
      %mul3A_91 = arith.muli %scan3A_36, %mul3A_90 : i32
      %add3A_92 = arith.constant 6 : i32
      %add3A_93 = arith.addi %mul3A_91, %add3A_92 : i32
      %dma_start3A_94 = arith.constant 0 : i32
      %dma_start3A_95 = tpu.memref_slice %arg5[%add3A_93, %dma_start3A_94] : memref<64x128xi32, #tpu.memory_space<vmem>> -> memref<1x128xi32, #tpu.memory_space<vmem>>
      %dma_start3A_96 = tpu.memref_squeeze %dma_start3A_95 : memref<1x128xi32, #tpu.memory_space<vmem>> -> memref<128xi32, #tpu.memory_space<vmem>>
      %dma_start3A_97 = arith.constant 0 : i32
      %dma_start3A_98 = tpu.memref_slice %arg7[%dma_start3A_97] : memref<64000xf32, #tpu.memory_space<vmem_shared>> -> memref<64000xf32, #tpu.memory_space<vmem_shared>>
      tpu.enqueue_indirect_dma source(%arg6 : memref<128xf32, #tpu.memory_space<vmem>>) target(%dma_start3A_98 : memref<64000xf32, #tpu.memory_space<vmem_shared>>) offsets(%dma_start3A_96 : memref<128xi32, #tpu.memory_space<vmem>>) semaphore(%arg8 : memref<!tpu.dma_semaphore, #tpu.memory_space<semaphore_mem>>) {add = true}
      %mul3A_99 = arith.constant 16 : i32
      %mul3A_100 = arith.muli %scan3A_36, %mul3A_99 : i32
      %add3A_101 = arith.constant 7 : i32
      %add3A_102 = arith.addi %mul3A_100, %add3A_101 : i32
      %dma_start3A_103 = arith.constant 0 : i32
      %dma_start3A_104 = tpu.memref_slice %arg5[%add3A_102, %dma_start3A_103] : memref<64x128xi32, #tpu.memory_space<vmem>> -> memref<1x128xi32, #tpu.memory_space<vmem>>
      %dma_start3A_105 = tpu.memref_squeeze %dma_start3A_104 : memref<1x128xi32, #tpu.memory_space<vmem>> -> memref<128xi32, #tpu.memory_space<vmem>>
      %dma_start3A_106 = arith.constant 0 : i32
      %dma_start3A_107 = tpu.memref_slice %arg7[%dma_start3A_106] : memref<64000xf32, #tpu.memory_space<vmem_shared>> -> memref<64000xf32, #tpu.memory_space<vmem_shared>>
      tpu.enqueue_indirect_dma source(%arg6 : memref<128xf32, #tpu.memory_space<vmem>>) target(%dma_start3A_107 : memref<64000xf32, #tpu.memory_space<vmem_shared>>) offsets(%dma_start3A_105 : memref<128xi32, #tpu.memory_space<vmem>>) semaphore(%arg8 : memref<!tpu.dma_semaphore, #tpu.memory_space<semaphore_mem>>) {add = true}
      %mul3A_108 = arith.constant 16 : i32
      %mul3A_109 = arith.muli %scan3A_36, %mul3A_108 : i32
      %add3A_110 = arith.constant 8 : i32
      %add3A_111 = arith.addi %mul3A_109, %add3A_110 : i32
      %dma_start3A_112 = arith.constant 0 : i32
      %dma_start3A_113 = tpu.memref_slice %arg5[%add3A_111, %dma_start3A_112] : memref<64x128xi32, #tpu.memory_space<vmem>> -> memref<1x128xi32, #tpu.memory_space<vmem>>
      %dma_start3A_114 = tpu.memref_squeeze %dma_start3A_113 : memref<1x128xi32, #tpu.memory_space<vmem>> -> memref<128xi32, #tpu.memory_space<vmem>>
      %dma_start3A_115 = arith.constant 0 : i32
      %dma_start3A_116 = tpu.memref_slice %arg7[%dma_start3A_115] : memref<64000xf32, #tpu.memory_space<vmem_shared>> -> memref<64000xf32, #tpu.memory_space<vmem_shared>>
      tpu.enqueue_indirect_dma source(%arg6 : memref<128xf32, #tpu.memory_space<vmem>>) target(%dma_start3A_116 : memref<64000xf32, #tpu.memory_space<vmem_shared>>) offsets(%dma_start3A_114 : memref<128xi32, #tpu.memory_space<vmem>>) semaphore(%arg8 : memref<!tpu.dma_semaphore, #tpu.memory_space<semaphore_mem>>) {add = true}
      %mul3A_117 = arith.constant 16 : i32
      %mul3A_118 = arith.muli %scan3A_36, %mul3A_117 : i32
      %add3A_119 = arith.constant 9 : i32
      %add3A_120 = arith.addi %mul3A_118, %add3A_119 : i32
      %dma_start3A_121 = arith.constant 0 : i32
      %dma_start3A_122 = tpu.memref_slice %arg5[%add3A_120, %dma_start3A_121] : memref<64x128xi32, #tpu.memory_space<vmem>> -> memref<1x128xi32, #tpu.memory_space<vmem>>
      %dma_start3A_123 = tpu.memref_squeeze %dma_start3A_122 : memref<1x128xi32, #tpu.memory_space<vmem>> -> memref<128xi32, #tpu.memory_space<vmem>>
      %dma_start3A_124 = arith.constant 0 : i32
      %dma_start3A_125 = tpu.memref_slice %arg7[%dma_start3A_124] : memref<64000xf32, #tpu.memory_space<vmem_shared>> -> memref<64000xf32, #tpu.memory_space<vmem_shared>>
      tpu.enqueue_indirect_dma source(%arg6 : memref<128xf32, #tpu.memory_space<vmem>>) target(%dma_start3A_125 : memref<64000xf32, #tpu.memory_space<vmem_shared>>) offsets(%dma_start3A_123 : memref<128xi32, #tpu.memory_space<vmem>>) semaphore(%arg8 : memref<!tpu.dma_semaphore, #tpu.memory_space<semaphore_mem>>) {add = true}
      %mul3A_126 = arith.constant 16 : i32
      %mul3A_127 = arith.muli %scan3A_36, %mul3A_126 : i32
      %add3A_128 = arith.constant 10 : i32
      %add3A_129 = arith.addi %mul3A_127, %add3A_128 : i32
      %dma_start3A_130 = arith.constant 0 : i32
      %dma_start3A_131 = tpu.memref_slice %arg5[%add3A_129, %dma_start3A_130] : memref<64x128xi32, #tpu.memory_space<vmem>> -> memref<1x128xi32, #tpu.memory_space<vmem>>
      %dma_start3A_132 = tpu.memref_squeeze %dma_start3A_131 : memref<1x128xi32, #tpu.memory_space<vmem>> -> memref<128xi32, #tpu.memory_space<vmem>>
      %dma_start3A_133 = arith.constant 0 : i32
      %dma_start3A_134 = tpu.memref_slice %arg7[%dma_start3A_133] : memref<64000xf32, #tpu.memory_space<vmem_shared>> -> memref<64000xf32, #tpu.memory_space<vmem_shared>>
      tpu.enqueue_indirect_dma source(%arg6 : memref<128xf32, #tpu.memory_space<vmem>>) target(%dma_start3A_134 : memref<64000xf32, #tpu.memory_space<vmem_shared>>) offsets(%dma_start3A_132 : memref<128xi32, #tpu.memory_space<vmem>>) semaphore(%arg8 : memref<!tpu.dma_semaphore, #tpu.memory_space<semaphore_mem>>) {add = true}
      %mul3A_135 = arith.constant 16 : i32
      %mul3A_136 = arith.muli %scan3A_36, %mul3A_135 : i32
      %add3A_137 = arith.constant 11 : i32
      %add3A_138 = arith.addi %mul3A_136, %add3A_137 : i32
      %dma_start3A_139 = arith.constant 0 : i32
      %dma_start3A_140 = tpu.memref_slice %arg5[%add3A_138, %dma_start3A_139] : memref<64x128xi32, #tpu.memory_space<vmem>> -> memref<1x128xi32, #tpu.memory_space<vmem>>
      %dma_start3A_141 = tpu.memref_squeeze %dma_start3A_140 : memref<1x128xi32, #tpu.memory_space<vmem>> -> memref<128xi32, #tpu.memory_space<vmem>>
      %dma_start3A_142 = arith.constant 0 : i32
      %dma_start3A_143 = tpu.memref_slice %arg7[%dma_start3A_142] : memref<64000xf32, #tpu.memory_space<vmem_shared>> -> memref<64000xf32, #tpu.memory_space<vmem_shared>>
      tpu.enqueue_indirect_dma source(%arg6 : memref<128xf32, #tpu.memory_space<vmem>>) target(%dma_start3A_143 : memref<64000xf32, #tpu.memory_space<vmem_shared>>) offsets(%dma_start3A_141 : memref<128xi32, #tpu.memory_space<vmem>>) semaphore(%arg8 : memref<!tpu.dma_semaphore, #tpu.memory_space<semaphore_mem>>) {add = true}
      %mul3A_144 = arith.constant 16 : i32
      %mul3A_145 = arith.muli %scan3A_36, %mul3A_144 : i32
      %add3A_146 = arith.constant 12 : i32
      %add3A_147 = arith.addi %mul3A_145, %add3A_146 : i32
      %dma_start3A_148 = arith.constant 0 : i32
      %dma_start3A_149 = tpu.memref_slice %arg5[%add3A_147, %dma_start3A_148] : memref<64x128xi32, #tpu.memory_space<vmem>> -> memref<1x128xi32, #tpu.memory_space<vmem>>
      %dma_start3A_150 = tpu.memref_squeeze %dma_start3A_149 : memref<1x128xi32, #tpu.memory_space<vmem>> -> memref<128xi32, #tpu.memory_space<vmem>>
      %dma_start3A_151 = arith.constant 0 : i32
      %dma_start3A_152 = tpu.memref_slice %arg7[%dma_start3A_151] : memref<64000xf32, #tpu.memory_space<vmem_shared>> -> memref<64000xf32, #tpu.memory_space<vmem_shared>>
      tpu.enqueue_indirect_dma source(%arg6 : memref<128xf32, #tpu.memory_space<vmem>>) target(%dma_start3A_152 : memref<64000xf32, #tpu.memory_space<vmem_shared>>) offsets(%dma_start3A_150 : memref<128xi32, #tpu.memory_space<vmem>>) semaphore(%arg8 : memref<!tpu.dma_semaphore, #tpu.memory_space<semaphore_mem>>) {add = true}
      %mul3A_153 = arith.constant 16 : i32
      %mul3A_154 = arith.muli %scan3A_36, %mul3A_153 : i32
      %add3A_155 = arith.constant 13 : i32
      %add3A_156 = arith.addi %mul3A_154, %add3A_155 : i32
      %dma_start3A_157 = arith.constant 0 : i32
      %dma_start3A_158 = tpu.memref_slice %arg5[%add3A_156, %dma_start3A_157] : memref<64x128xi32, #tpu.memory_space<vmem>> -> memref<1x128xi32, #tpu.memory_space<vmem>>
      %dma_start3A_159 = tpu.memref_squeeze %dma_start3A_158 : memref<1x128xi32, #tpu.memory_space<vmem>> -> memref<128xi32, #tpu.memory_space<vmem>>
      %dma_start3A_160 = arith.constant 0 : i32
      %dma_start3A_161 = tpu.memref_slice %arg7[%dma_start3A_160] : memref<64000xf32, #tpu.memory_space<vmem_shared>> -> memref<64000xf32, #tpu.memory_space<vmem_shared>>
      tpu.enqueue_indirect_dma source(%arg6 : memref<128xf32, #tpu.memory_space<vmem>>) target(%dma_start3A_161 : memref<64000xf32, #tpu.memory_space<vmem_shared>>) offsets(%dma_start3A_159 : memref<128xi32, #tpu.memory_space<vmem>>) semaphore(%arg8 : memref<!tpu.dma_semaphore, #tpu.memory_space<semaphore_mem>>) {add = true}
      %mul3A_162 = arith.constant 16 : i32
      %mul3A_163 = arith.muli %scan3A_36, %mul3A_162 : i32
      %add3A_164 = arith.constant 14 : i32
      %add3A_165 = arith.addi %mul3A_163, %add3A_164 : i32
      %dma_start3A_166 = arith.constant 0 : i32
      %dma_start3A_167 = tpu.memref_slice %arg5[%add3A_165, %dma_start3A_166] : memref<64x128xi32, #tpu.memory_space<vmem>> -> memref<1x128xi32, #tpu.memory_space<vmem>>
      %dma_start3A_168 = tpu.memref_squeeze %dma_start3A_167 : memref<1x128xi32, #tpu.memory_space<vmem>> -> memref<128xi32, #tpu.memory_space<vmem>>
      %dma_start3A_169 = arith.constant 0 : i32
      %dma_start3A_170 = tpu.memref_slice %arg7[%dma_start3A_169] : memref<64000xf32, #tpu.memory_space<vmem_shared>> -> memref<64000xf32, #tpu.memory_space<vmem_shared>>
      tpu.enqueue_indirect_dma source(%arg6 : memref<128xf32, #tpu.memory_space<vmem>>) target(%dma_start3A_170 : memref<64000xf32, #tpu.memory_space<vmem_shared>>) offsets(%dma_start3A_168 : memref<128xi32, #tpu.memory_space<vmem>>) semaphore(%arg8 : memref<!tpu.dma_semaphore, #tpu.memory_space<semaphore_mem>>) {add = true}
      %mul3A_171 = arith.constant 16 : i32
      %mul3A_172 = arith.muli %scan3A_36, %mul3A_171 : i32
      %add3A_173 = arith.constant 15 : i32
      %add3A_174 = arith.addi %mul3A_172, %add3A_173 : i32
      %dma_start3A_175 = arith.constant 0 : i32
      %dma_start3A_176 = tpu.memref_slice %arg5[%add3A_174, %dma_start3A_175] : memref<64x128xi32, #tpu.memory_space<vmem>> -> memref<1x128xi32, #tpu.memory_space<vmem>>
      %dma_start3A_177 = tpu.memref_squeeze %dma_start3A_176 : memref<1x128xi32, #tpu.memory_space<vmem>> -> memref<128xi32, #tpu.memory_space<vmem>>
      %dma_start3A_178 = arith.constant 0 : i32
      %dma_start3A_179 = tpu.memref_slice %arg7[%dma_start3A_178] : memref<64000xf32, #tpu.memory_space<vmem_shared>> -> memref<64000xf32, #tpu.memory_space<vmem_shared>>
      tpu.enqueue_indirect_dma source(%arg6 : memref<128xf32, #tpu.memory_space<vmem>>) target(%dma_start3A_179 : memref<64000xf32, #tpu.memory_space<vmem_shared>>) offsets(%dma_start3A_177 : memref<128xi32, #tpu.memory_space<vmem>>) semaphore(%arg8 : memref<!tpu.dma_semaphore, #tpu.memory_space<semaphore_mem>>) {add = true}
    }
    %scan3A_23 = arith.constant 4 : i32
    %scan3A_24 = arith.constant 0 : i32
    %scan3A_25 = arith.constant 0 : i32
    %scan3A_26 = arith.constant 4 : i32
    %scan3A_27 = arith.addi %scan3A_25, %scan3A_26 : i32
    %scan3A_28 = arith.constant 1 : i32
    scf.for %scan3A_36 = %scan3A_25 to %scan3A_27 step %scan3A_28  : i32 {
      %mul3A_37 = arith.constant 16 : i32
      %mul3A_38 = arith.muli %scan3A_36, %mul3A_37 : i32
      %add3A_39 = arith.constant 0 : i32
      %add3A_40 = arith.addi %mul3A_38, %add3A_39 : i32
      %dma_wait3A = arith.constant 0 : i32
      %dma_wait3A_41 = tpu.memref_slice %arg5[%add3A_40, %dma_wait3A] : memref<64x128xi32, #tpu.memory_space<vmem>> -> memref<1x128xi32, #tpu.memory_space<vmem>>
      %dma_wait3A_42 = tpu.memref_squeeze %dma_wait3A_41 : memref<1x128xi32, #tpu.memory_space<vmem>> -> memref<128xi32, #tpu.memory_space<vmem>>
      %dma_wait3A_43 = arith.constant 0 : i32
      %dma_wait3A_44 = tpu.memref_slice %arg7[%dma_wait3A_43] : memref<64000xf32, #tpu.memory_space<vmem_shared>> -> memref<64000xf32, #tpu.memory_space<vmem_shared>>
      tpu.wait_indirect_dma semaphore(%arg8 : memref<!tpu.dma_semaphore, #tpu.memory_space<semaphore_mem>>) src(%arg6 : memref<128xf32, #tpu.memory_space<vmem>>) dst(%dma_wait3A_44 : memref<64000xf32, #tpu.memory_space<vmem_shared>>)
      %mul3A_45 = arith.constant 16 : i32
      %mul3A_46 = arith.muli %scan3A_36, %mul3A_45 : i32
      %add3A_47 = arith.constant 1 : i32
      %add3A_48 = arith.addi %mul3A_46, %add3A_47 : i32
      %dma_wait3A_49 = arith.constant 0 : i32
      %dma_wait3A_50 = tpu.memref_slice %arg5[%add3A_48, %dma_wait3A_49] : memref<64x128xi32, #tpu.memory_space<vmem>> -> memref<1x128xi32, #tpu.memory_space<vmem>>
      %dma_wait3A_51 = tpu.memref_squeeze %dma_wait3A_50 : memref<1x128xi32, #tpu.memory_space<vmem>> -> memref<128xi32, #tpu.memory_space<vmem>>
      %dma_wait3A_52 = arith.constant 0 : i32
      %dma_wait3A_53 = tpu.memref_slice %arg7[%dma_wait3A_52] : memref<64000xf32, #tpu.memory_space<vmem_shared>> -> memref<64000xf32, #tpu.memory_space<vmem_shared>>
      tpu.wait_indirect_dma semaphore(%arg8 : memref<!tpu.dma_semaphore, #tpu.memory_space<semaphore_mem>>) src(%arg6 : memref<128xf32, #tpu.memory_space<vmem>>) dst(%dma_wait3A_53 : memref<64000xf32, #tpu.memory_space<vmem_shared>>)
      %mul3A_54 = arith.constant 16 : i32
      %mul3A_55 = arith.muli %scan3A_36, %mul3A_54 : i32
      %add3A_56 = arith.constant 2 : i32
      %add3A_57 = arith.addi %mul3A_55, %add3A_56 : i32
      %dma_wait3A_58 = arith.constant 0 : i32
      %dma_wait3A_59 = tpu.memref_slice %arg5[%add3A_57, %dma_wait3A_58] : memref<64x128xi32, #tpu.memory_space<vmem>> -> memref<1x128xi32, #tpu.memory_space<vmem>>
      %dma_wait3A_60 = tpu.memref_squeeze %dma_wait3A_59 : memref<1x128xi32, #tpu.memory_space<vmem>> -> memref<128xi32, #tpu.memory_space<vmem>>
      %dma_wait3A_61 = arith.constant 0 : i32
      %dma_wait3A_62 = tpu.memref_slice %arg7[%dma_wait3A_61] : memref<64000xf32, #tpu.memory_space<vmem_shared>> -> memref<64000xf32, #tpu.memory_space<vmem_shared>>
      tpu.wait_indirect_dma semaphore(%arg8 : memref<!tpu.dma_semaphore, #tpu.memory_space<semaphore_mem>>) src(%arg6 : memref<128xf32, #tpu.memory_space<vmem>>) dst(%dma_wait3A_62 : memref<64000xf32, #tpu.memory_space<vmem_shared>>)
      %mul3A_63 = arith.constant 16 : i32
      %mul3A_64 = arith.muli %scan3A_36, %mul3A_63 : i32
      %add3A_65 = arith.constant 3 : i32
      %add3A_66 = arith.addi %mul3A_64, %add3A_65 : i32
      %dma_wait3A_67 = arith.constant 0 : i32
      %dma_wait3A_68 = tpu.memref_slice %arg5[%add3A_66, %dma_wait3A_67] : memref<64x128xi32, #tpu.memory_space<vmem>> -> memref<1x128xi32, #tpu.memory_space<vmem>>
      %dma_wait3A_69 = tpu.memref_squeeze %dma_wait3A_68 : memref<1x128xi32, #tpu.memory_space<vmem>> -> memref<128xi32, #tpu.memory_space<vmem>>
      %dma_wait3A_70 = arith.constant 0 : i32
      %dma_wait3A_71 = tpu.memref_slice %arg7[%dma_wait3A_70] : memref<64000xf32, #tpu.memory_space<vmem_shared>> -> memref<64000xf32, #tpu.memory_space<vmem_shared>>
      tpu.wait_indirect_dma semaphore(%arg8 : memref<!tpu.dma_semaphore, #tpu.memory_space<semaphore_mem>>) src(%arg6 : memref<128xf32, #tpu.memory_space<vmem>>) dst(%dma_wait3A_71 : memref<64000xf32, #tpu.memory_space<vmem_shared>>)
      %mul3A_72 = arith.constant 16 : i32
      %mul3A_73 = arith.muli %scan3A_36, %mul3A_72 : i32
      %add3A_74 = arith.constant 4 : i32
      %add3A_75 = arith.addi %mul3A_73, %add3A_74 : i32
      %dma_wait3A_76 = arith.constant 0 : i32
      %dma_wait3A_77 = tpu.memref_slice %arg5[%add3A_75, %dma_wait3A_76] : memref<64x128xi32, #tpu.memory_space<vmem>> -> memref<1x128xi32, #tpu.memory_space<vmem>>
      %dma_wait3A_78 = tpu.memref_squeeze %dma_wait3A_77 : memref<1x128xi32, #tpu.memory_space<vmem>> -> memref<128xi32, #tpu.memory_space<vmem>>
      %dma_wait3A_79 = arith.constant 0 : i32
      %dma_wait3A_80 = tpu.memref_slice %arg7[%dma_wait3A_79] : memref<64000xf32, #tpu.memory_space<vmem_shared>> -> memref<64000xf32, #tpu.memory_space<vmem_shared>>
      tpu.wait_indirect_dma semaphore(%arg8 : memref<!tpu.dma_semaphore, #tpu.memory_space<semaphore_mem>>) src(%arg6 : memref<128xf32, #tpu.memory_space<vmem>>) dst(%dma_wait3A_80 : memref<64000xf32, #tpu.memory_space<vmem_shared>>)
      %mul3A_81 = arith.constant 16 : i32
      %mul3A_82 = arith.muli %scan3A_36, %mul3A_81 : i32
      %add3A_83 = arith.constant 5 : i32
      %add3A_84 = arith.addi %mul3A_82, %add3A_83 : i32
      %dma_wait3A_85 = arith.constant 0 : i32
      %dma_wait3A_86 = tpu.memref_slice %arg5[%add3A_84, %dma_wait3A_85] : memref<64x128xi32, #tpu.memory_space<vmem>> -> memref<1x128xi32, #tpu.memory_space<vmem>>
      %dma_wait3A_87 = tpu.memref_squeeze %dma_wait3A_86 : memref<1x128xi32, #tpu.memory_space<vmem>> -> memref<128xi32, #tpu.memory_space<vmem>>
      %dma_wait3A_88 = arith.constant 0 : i32
      %dma_wait3A_89 = tpu.memref_slice %arg7[%dma_wait3A_88] : memref<64000xf32, #tpu.memory_space<vmem_shared>> -> memref<64000xf32, #tpu.memory_space<vmem_shared>>
      tpu.wait_indirect_dma semaphore(%arg8 : memref<!tpu.dma_semaphore, #tpu.memory_space<semaphore_mem>>) src(%arg6 : memref<128xf32, #tpu.memory_space<vmem>>) dst(%dma_wait3A_89 : memref<64000xf32, #tpu.memory_space<vmem_shared>>)
      %mul3A_90 = arith.constant 16 : i32
      %mul3A_91 = arith.muli %scan3A_36, %mul3A_90 : i32
      %add3A_92 = arith.constant 6 : i32
      %add3A_93 = arith.addi %mul3A_91, %add3A_92 : i32
      %dma_wait3A_94 = arith.constant 0 : i32
      %dma_wait3A_95 = tpu.memref_slice %arg5[%add3A_93, %dma_wait3A_94] : memref<64x128xi32, #tpu.memory_space<vmem>> -> memref<1x128xi32, #tpu.memory_space<vmem>>
      %dma_wait3A_96 = tpu.memref_squeeze %dma_wait3A_95 : memref<1x128xi32, #tpu.memory_space<vmem>> -> memref<128xi32, #tpu.memory_space<vmem>>
      %dma_wait3A_97 = arith.constant 0 : i32
      %dma_wait3A_98 = tpu.memref_slice %arg7[%dma_wait3A_97] : memref<64000xf32, #tpu.memory_space<vmem_shared>> -> memref<64000xf32, #tpu.memory_space<vmem_shared>>
      tpu.wait_indirect_dma semaphore(%arg8 : memref<!tpu.dma_semaphore, #tpu.memory_space<semaphore_mem>>) src(%arg6 : memref<128xf32, #tpu.memory_space<vmem>>) dst(%dma_wait3A_98 : memref<64000xf32, #tpu.memory_space<vmem_shared>>)
      %mul3A_99 = arith.constant 16 : i32
      %mul3A_100 = arith.muli %scan3A_36, %mul3A_99 : i32
      %add3A_101 = arith.constant 7 : i32
      %add3A_102 = arith.addi %mul3A_100, %add3A_101 : i32
      %dma_wait3A_103 = arith.constant 0 : i32
      %dma_wait3A_104 = tpu.memref_slice %arg5[%add3A_102, %dma_wait3A_103] : memref<64x128xi32, #tpu.memory_space<vmem>> -> memref<1x128xi32, #tpu.memory_space<vmem>>
      %dma_wait3A_105 = tpu.memref_squeeze %dma_wait3A_104 : memref<1x128xi32, #tpu.memory_space<vmem>> -> memref<128xi32, #tpu.memory_space<vmem>>
      %dma_wait3A_106 = arith.constant 0 : i32
      %dma_wait3A_107 = tpu.memref_slice %arg7[%dma_wait3A_106] : memref<64000xf32, #tpu.memory_space<vmem_shared>> -> memref<64000xf32, #tpu.memory_space<vmem_shared>>
      tpu.wait_indirect_dma semaphore(%arg8 : memref<!tpu.dma_semaphore, #tpu.memory_space<semaphore_mem>>) src(%arg6 : memref<128xf32, #tpu.memory_space<vmem>>) dst(%dma_wait3A_107 : memref<64000xf32, #tpu.memory_space<vmem_shared>>)
      %mul3A_108 = arith.constant 16 : i32
      %mul3A_109 = arith.muli %scan3A_36, %mul3A_108 : i32
      %add3A_110 = arith.constant 8 : i32
      %add3A_111 = arith.addi %mul3A_109, %add3A_110 : i32
      %dma_wait3A_112 = arith.constant 0 : i32
      %dma_wait3A_113 = tpu.memref_slice %arg5[%add3A_111, %dma_wait3A_112] : memref<64x128xi32, #tpu.memory_space<vmem>> -> memref<1x128xi32, #tpu.memory_space<vmem>>
      %dma_wait3A_114 = tpu.memref_squeeze %dma_wait3A_113 : memref<1x128xi32, #tpu.memory_space<vmem>> -> memref<128xi32, #tpu.memory_space<vmem>>
      %dma_wait3A_115 = arith.constant 0 : i32
      %dma_wait3A_116 = tpu.memref_slice %arg7[%dma_wait3A_115] : memref<64000xf32, #tpu.memory_space<vmem_shared>> -> memref<64000xf32, #tpu.memory_space<vmem_shared>>
      tpu.wait_indirect_dma semaphore(%arg8 : memref<!tpu.dma_semaphore, #tpu.memory_space<semaphore_mem>>) src(%arg6 : memref<128xf32, #tpu.memory_space<vmem>>) dst(%dma_wait3A_116 : memref<64000xf32, #tpu.memory_space<vmem_shared>>)
      %mul3A_117 = arith.constant 16 : i32
      %mul3A_118 = arith.muli %scan3A_36, %mul3A_117 : i32
      %add3A_119 = arith.constant 9 : i32
      %add3A_120 = arith.addi %mul3A_118, %add3A_119 : i32
      %dma_wait3A_121 = arith.constant 0 : i32
      %dma_wait3A_122 = tpu.memref_slice %arg5[%add3A_120, %dma_wait3A_121] : memref<64x128xi32, #tpu.memory_space<vmem>> -> memref<1x128xi32, #tpu.memory_space<vmem>>
      %dma_wait3A_123 = tpu.memref_squeeze %dma_wait3A_122 : memref<1x128xi32, #tpu.memory_space<vmem>> -> memref<128xi32, #tpu.memory_space<vmem>>
      %dma_wait3A_124 = arith.constant 0 : i32
      %dma_wait3A_125 = tpu.memref_slice %arg7[%dma_wait3A_124] : memref<64000xf32, #tpu.memory_space<vmem_shared>> -> memref<64000xf32, #tpu.memory_space<vmem_shared>>
      tpu.wait_indirect_dma semaphore(%arg8 : memref<!tpu.dma_semaphore, #tpu.memory_space<semaphore_mem>>) src(%arg6 : memref<128xf32, #tpu.memory_space<vmem>>) dst(%dma_wait3A_125 : memref<64000xf32, #tpu.memory_space<vmem_shared>>)
      %mul3A_126 = arith.constant 16 : i32
      %mul3A_127 = arith.muli %scan3A_36, %mul3A_126 : i32
      %add3A_128 = arith.constant 10 : i32
      %add3A_129 = arith.addi %mul3A_127, %add3A_128 : i32
      %dma_wait3A_130 = arith.constant 0 : i32
      %dma_wait3A_131 = tpu.memref_slice %arg5[%add3A_129, %dma_wait3A_130] : memref<64x128xi32, #tpu.memory_space<vmem>> -> memref<1x128xi32, #tpu.memory_space<vmem>>
      %dma_wait3A_132 = tpu.memref_squeeze %dma_wait3A_131 : memref<1x128xi32, #tpu.memory_space<vmem>> -> memref<128xi32, #tpu.memory_space<vmem>>
      %dma_wait3A_133 = arith.constant 0 : i32
      %dma_wait3A_134 = tpu.memref_slice %arg7[%dma_wait3A_133] : memref<64000xf32, #tpu.memory_space<vmem_shared>> -> memref<64000xf32, #tpu.memory_space<vmem_shared>>
      tpu.wait_indirect_dma semaphore(%arg8 : memref<!tpu.dma_semaphore, #tpu.memory_space<semaphore_mem>>) src(%arg6 : memref<128xf32, #tpu.memory_space<vmem>>) dst(%dma_wait3A_134 : memref<64000xf32, #tpu.memory_space<vmem_shared>>)
      %mul3A_135 = arith.constant 16 : i32
      %mul3A_136 = arith.muli %scan3A_36, %mul3A_135 : i32
      %add3A_137 = arith.constant 11 : i32
      %add3A_138 = arith.addi %mul3A_136, %add3A_137 : i32
      %dma_wait3A_139 = arith.constant 0 : i32
      %dma_wait3A_140 = tpu.memref_slice %arg5[%add3A_138, %dma_wait3A_139] : memref<64x128xi32, #tpu.memory_space<vmem>> -> memref<1x128xi32, #tpu.memory_space<vmem>>
      %dma_wait3A_141 = tpu.memref_squeeze %dma_wait3A_140 : memref<1x128xi32, #tpu.memory_space<vmem>> -> memref<128xi32, #tpu.memory_space<vmem>>
      %dma_wait3A_142 = arith.constant 0 : i32
      %dma_wait3A_143 = tpu.memref_slice %arg7[%dma_wait3A_142] : memref<64000xf32, #tpu.memory_space<vmem_shared>> -> memref<64000xf32, #tpu.memory_space<vmem_shared>>
      tpu.wait_indirect_dma semaphore(%arg8 : memref<!tpu.dma_semaphore, #tpu.memory_space<semaphore_mem>>) src(%arg6 : memref<128xf32, #tpu.memory_space<vmem>>) dst(%dma_wait3A_143 : memref<64000xf32, #tpu.memory_space<vmem_shared>>)
      %mul3A_144 = arith.constant 16 : i32
      %mul3A_145 = arith.muli %scan3A_36, %mul3A_144 : i32
      %add3A_146 = arith.constant 12 : i32
      %add3A_147 = arith.addi %mul3A_145, %add3A_146 : i32
      %dma_wait3A_148 = arith.constant 0 : i32
      %dma_wait3A_149 = tpu.memref_slice %arg5[%add3A_147, %dma_wait3A_148] : memref<64x128xi32, #tpu.memory_space<vmem>> -> memref<1x128xi32, #tpu.memory_space<vmem>>
      %dma_wait3A_150 = tpu.memref_squeeze %dma_wait3A_149 : memref<1x128xi32, #tpu.memory_space<vmem>> -> memref<128xi32, #tpu.memory_space<vmem>>
      %dma_wait3A_151 = arith.constant 0 : i32
      %dma_wait3A_152 = tpu.memref_slice %arg7[%dma_wait3A_151] : memref<64000xf32, #tpu.memory_space<vmem_shared>> -> memref<64000xf32, #tpu.memory_space<vmem_shared>>
      tpu.wait_indirect_dma semaphore(%arg8 : memref<!tpu.dma_semaphore, #tpu.memory_space<semaphore_mem>>) src(%arg6 : memref<128xf32, #tpu.memory_space<vmem>>) dst(%dma_wait3A_152 : memref<64000xf32, #tpu.memory_space<vmem_shared>>)
      %mul3A_153 = arith.constant 16 : i32
      %mul3A_154 = arith.muli %scan3A_36, %mul3A_153 : i32
      %add3A_155 = arith.constant 13 : i32
      %add3A_156 = arith.addi %mul3A_154, %add3A_155 : i32
      %dma_wait3A_157 = arith.constant 0 : i32
      %dma_wait3A_158 = tpu.memref_slice %arg5[%add3A_156, %dma_wait3A_157] : memref<64x128xi32, #tpu.memory_space<vmem>> -> memref<1x128xi32, #tpu.memory_space<vmem>>
      %dma_wait3A_159 = tpu.memref_squeeze %dma_wait3A_158 : memref<1x128xi32, #tpu.memory_space<vmem>> -> memref<128xi32, #tpu.memory_space<vmem>>
      %dma_wait3A_160 = arith.constant 0 : i32
      %dma_wait3A_161 = tpu.memref_slice %arg7[%dma_wait3A_160] : memref<64000xf32, #tpu.memory_space<vmem_shared>> -> memref<64000xf32, #tpu.memory_space<vmem_shared>>
      tpu.wait_indirect_dma semaphore(%arg8 : memref<!tpu.dma_semaphore, #tpu.memory_space<semaphore_mem>>) src(%arg6 : memref<128xf32, #tpu.memory_space<vmem>>) dst(%dma_wait3A_161 : memref<64000xf32, #tpu.memory_space<vmem_shared>>)
      %mul3A_162 = arith.constant 16 : i32
      %mul3A_163 = arith.muli %scan3A_36, %mul3A_162 : i32
      %add3A_164 = arith.constant 14 : i32
      %add3A_165 = arith.addi %mul3A_163, %add3A_164 : i32
      %dma_wait3A_166 = arith.constant 0 : i32
      %dma_wait3A_167 = tpu.memref_slice %arg5[%add3A_165, %dma_wait3A_166] : memref<64x128xi32, #tpu.memory_space<vmem>> -> memref<1x128xi32, #tpu.memory_space<vmem>>
      %dma_wait3A_168 = tpu.memref_squeeze %dma_wait3A_167 : memref<1x128xi32, #tpu.memory_space<vmem>> -> memref<128xi32, #tpu.memory_space<vmem>>
      %dma_wait3A_169 = arith.constant 0 : i32
      %dma_wait3A_170 = tpu.memref_slice %arg7[%dma_wait3A_169] : memref<64000xf32, #tpu.memory_space<vmem_shared>> -> memref<64000xf32, #tpu.memory_space<vmem_shared>>
      tpu.wait_indirect_dma semaphore(%arg8 : memref<!tpu.dma_semaphore, #tpu.memory_space<semaphore_mem>>) src(%arg6 : memref<128xf32, #tpu.memory_space<vmem>>) dst(%dma_wait3A_170 : memref<64000xf32, #tpu.memory_space<vmem_shared>>)
      %mul3A_171 = arith.constant 16 : i32
      %mul3A_172 = arith.muli %scan3A_36, %mul3A_171 : i32
      %add3A_173 = arith.constant 15 : i32
      %add3A_174 = arith.addi %mul3A_172, %add3A_173 : i32
      %dma_wait3A_175 = arith.constant 0 : i32
      %dma_wait3A_176 = tpu.memref_slice %arg5[%add3A_174, %dma_wait3A_175] : memref<64x128xi32, #tpu.memory_space<vmem>> -> memref<1x128xi32, #tpu.memory_space<vmem>>
      %dma_wait3A_177 = tpu.memref_squeeze %dma_wait3A_176 : memref<1x128xi32, #tpu.memory_space<vmem>> -> memref<128xi32, #tpu.memory_space<vmem>>
      %dma_wait3A_178 = arith.constant 0 : i32
      %dma_wait3A_179 = tpu.memref_slice %arg7[%dma_wait3A_178] : memref<64000xf32, #tpu.memory_space<vmem_shared>> -> memref<64000xf32, #tpu.memory_space<vmem_shared>>
      tpu.wait_indirect_dma semaphore(%arg8 : memref<!tpu.dma_semaphore, #tpu.memory_space<semaphore_mem>>) src(%arg6 : memref<128xf32, #tpu.memory_space<vmem>>) dst(%dma_wait3A_179 : memref<64000xf32, #tpu.memory_space<vmem_shared>>)
    }
    %scan3A_29 = arith.constant 4 : i32
    %barrier3A_30 = arith.constant 0 : index
    tpu.barrier barrier_id(%barrier3A_30)
    %eq3A_31 = arith.constant 0 : i32
    %eq3A_32 = arith.cmpi eq, %arg1, %eq3A_31 : i32
    %convert_element_type3A_33 = arith.extui %eq3A_32 : i1 to i32
    %cond3A_34 = arith.constant 0 : i32
    %cond3A_35 = arith.cmpi ne, %convert_element_type3A_33, %cond3A_34 : i32
    scf.if %cond3A_35 {
      "tpu.region"() ({
        %run_scoped3A = tpu.sem_alloc : memref<!tpu.dma_semaphore, #tpu.memory_space<semaphore_mem>>
        %dma_start3A = arith.constant 0 : i32
        %dma_start3A_36 = tpu.memref_slice %arg4[%arg0, %dma_start3A] : memref<2x64000xf32, #tpu.memory_space<hbm>> -> memref<1x64000xf32, #tpu.memory_space<hbm>>
        %dma_start3A_37 = tpu.memref_squeeze %dma_start3A_36 : memref<1x64000xf32, #tpu.memory_space<hbm>> -> memref<64000xf32, #tpu.memory_space<hbm>>
        tpu.enqueue_dma source(%arg7 : memref<64000xf32, #tpu.memory_space<vmem_shared>>) target(%dma_start3A_37 : memref<64000xf32, #tpu.memory_space<hbm>>) target_semaphore(%run_scoped3A : memref<!tpu.dma_semaphore, #tpu.memory_space<semaphore_mem>>)
        %dma_wait3A = arith.constant 0 : i32
        %dma_wait3A_38 = tpu.memref_slice %arg4[%arg0, %dma_wait3A] : memref<2x64000xf32, #tpu.memory_space<hbm>> -> memref<1x64000xf32, #tpu.memory_space<hbm>>
        %dma_wait3A_39 = tpu.memref_squeeze %dma_wait3A_38 : memref<1x64000xf32, #tpu.memory_space<hbm>> -> memref<64000xf32, #tpu.memory_space<hbm>>
        tpu.wait_dma2 semaphore(%run_scoped3A : memref<!tpu.dma_semaphore, #tpu.memory_space<semaphore_mem>>) src(%arg7 : memref<64000xf32, #tpu.memory_space<vmem_shared>>) dst(%dma_wait3A_39 : memref<64000xf32, #tpu.memory_space<hbm>>)
        tpu.yield
      }) : () -> ()
    } else {
    }
    return
  }
}

module attributes {stable_mosaic.version = 14 : i64} {
  func.func @_tc_zq_body(%arg0: i32, %arg1: memref<6x64x1024xf32, #tpu.memory_space<vmem>>, %arg2: memref<6x64x1024xf32, #tpu.memory_space<vmem>>) attributes {dimension_semantics = [#tpu.dimension_semantics<arbitrary>], iteration_bounds = array<i64: 4>, scalar_prefetch = 0 : i64, scratch_operands = 0 : i64, tpu.core_type = #tpu.core_type<tc>, window_params = [{transform_indices = @transform_0, window_bounds = array<i64: 6, 64, 1024>}, {transform_indices = @transform_1, window_bounds = array<i64: 6, 64, 1024>}]} {
    %get3A = arith.constant 0 : index
    %get3A_0 = arith.constant 0 : index
    %get3A_1 = arith.constant 0 : index
    %get3A_2 = vector.load %arg1[%get3A, %get3A_0, %get3A_1] : memref<6x64x1024xf32, #tpu.memory_space<vmem>>, vector<1x64x1024xf32>
    %get3A_3 = vector.shape_cast %get3A_2 : vector<1x64x1024xf32> to vector<64x1024xf32>
    %tanh3A = math.tanh %get3A_3 : vector<64x1024xf32>
    %mul3A = arith.constant 4.000000e+00 : f32
    %mul3A_4 = vector.broadcast %mul3A : f32 to vector<64x1024xf32>
    %mul3A_5 = arith.mulf %tanh3A, %mul3A_4 : vector<64x1024xf32>
    %round3A = math.roundeven %mul3A_5 : vector<64x1024xf32>
    %mul3A_6 = arith.constant 1.250000e-01 : f32
    %mul3A_7 = vector.broadcast %mul3A_6 : f32 to vector<64x1024xf32>
    %mul3A_8 = arith.mulf %round3A, %mul3A_7 : vector<64x1024xf32>
    %swap3A = arith.constant 0 : index
    %swap3A_9 = arith.constant 0 : index
    %swap3A_10 = arith.constant 0 : index
    %swap3A_11 = vector.load %arg2[%swap3A, %swap3A_9, %swap3A_10] : memref<6x64x1024xf32, #tpu.memory_space<vmem>>, vector<1x64x1024xf32>
    %swap3A_12 = vector.shape_cast %swap3A_11 : vector<1x64x1024xf32> to vector<64x1024xf32>
    %swap3A_13 = vector.shape_cast %mul3A_8 : vector<64x1024xf32> to vector<1x64x1024xf32>
    tpu.vector_store %arg2[%swap3A, %swap3A_9, %swap3A_10], %swap3A_13 {strides = array<i32>} : memref<6x64x1024xf32, #tpu.memory_space<vmem>>, vector<1x64x1024xf32>,
    %get3A_14 = arith.constant 1 : index
    %get3A_15 = arith.constant 0 : index
    %get3A_16 = arith.constant 0 : index
    %get3A_17 = vector.load %arg1[%get3A_14, %get3A_15, %get3A_16] : memref<6x64x1024xf32, #tpu.memory_space<vmem>>, vector<1x64x1024xf32>
    %get3A_18 = vector.shape_cast %get3A_17 : vector<1x64x1024xf32> to vector<64x1024xf32>
    %tanh3A_19 = math.tanh %get3A_18 : vector<64x1024xf32>
    %mul3A_20 = arith.constant 4.000000e+00 : f32
    %mul3A_21 = vector.broadcast %mul3A_20 : f32 to vector<64x1024xf32>
    %mul3A_22 = arith.mulf %tanh3A_19, %mul3A_21 : vector<64x1024xf32>
    %round3A_23 = math.roundeven %mul3A_22 : vector<64x1024xf32>
    %mul3A_24 = arith.constant 1.250000e-01 : f32
    %mul3A_25 = vector.broadcast %mul3A_24 : f32 to vector<64x1024xf32>
    %mul3A_26 = arith.mulf %round3A_23, %mul3A_25 : vector<64x1024xf32>
    %swap3A_27 = arith.constant 1 : index
    %swap3A_28 = arith.constant 0 : index
    %swap3A_29 = arith.constant 0 : index
    %swap3A_30 = vector.load %arg2[%swap3A_27, %swap3A_28, %swap3A_29] : memref<6x64x1024xf32, #tpu.memory_space<vmem>>, vector<1x64x1024xf32>
    %swap3A_31 = vector.shape_cast %swap3A_30 : vector<1x64x1024xf32> to vector<64x1024xf32>
    %swap3A_32 = vector.shape_cast %mul3A_26 : vector<64x1024xf32> to vector<1x64x1024xf32>
    tpu.vector_store %arg2[%swap3A_27, %swap3A_28, %swap3A_29], %swap3A_32 {strides = array<i32>} : memref<6x64x1024xf32, #tpu.memory_space<vmem>>, vector<1x64x1024xf32>,
    %get3A_33 = arith.constant 2 : index
    %get3A_34 = arith.constant 0 : index
    %get3A_35 = arith.constant 0 : index
    %get3A_36 = vector.load %arg1[%get3A_33, %get3A_34, %get3A_35] : memref<6x64x1024xf32, #tpu.memory_space<vmem>>, vector<1x64x1024xf32>
    %get3A_37 = vector.shape_cast %get3A_36 : vector<1x64x1024xf32> to vector<64x1024xf32>
    %tanh3A_38 = math.tanh %get3A_37 : vector<64x1024xf32>
    %mul3A_39 = arith.constant 4.000000e+00 : f32
    %mul3A_40 = vector.broadcast %mul3A_39 : f32 to vector<64x1024xf32>
    %mul3A_41 = arith.mulf %tanh3A_38, %mul3A_40 : vector<64x1024xf32>
    %round3A_42 = math.roundeven %mul3A_41 : vector<64x1024xf32>
    %mul3A_43 = arith.constant 1.250000e-01 : f32
    %mul3A_44 = vector.broadcast %mul3A_43 : f32 to vector<64x1024xf32>
    %mul3A_45 = arith.mulf %round3A_42, %mul3A_44 : vector<64x1024xf32>
    %swap3A_46 = arith.constant 2 : index
    %swap3A_47 = arith.constant 0 : index
    %swap3A_48 = arith.constant 0 : index
    %swap3A_49 = vector.load %arg2[%swap3A_46, %swap3A_47, %swap3A_48] : memref<6x64x1024xf32, #tpu.memory_space<vmem>>, vector<1x64x1024xf32>
    %swap3A_50 = vector.shape_cast %swap3A_49 : vector<1x64x1024xf32> to vector<64x1024xf32>
    %swap3A_51 = vector.shape_cast %mul3A_45 : vector<64x1024xf32> to vector<1x64x1024xf32>
    tpu.vector_store %arg2[%swap3A_46, %swap3A_47, %swap3A_48], %swap3A_51 {strides = array<i32>} : memref<6x64x1024xf32, #tpu.memory_space<vmem>>, vector<1x64x1024xf32>,
    %get3A_52 = arith.constant 3 : index
    %get3A_53 = arith.constant 0 : index
    %get3A_54 = arith.constant 0 : index
    %get3A_55 = vector.load %arg1[%get3A_52, %get3A_53, %get3A_54] : memref<6x64x1024xf32, #tpu.memory_space<vmem>>, vector<1x64x1024xf32>
    %get3A_56 = vector.shape_cast %get3A_55 : vector<1x64x1024xf32> to vector<64x1024xf32>
    %tanh3A_57 = math.tanh %get3A_56 : vector<64x1024xf32>
    %mul3A_58 = arith.constant 2.000000e+00 : f32
    %mul3A_59 = vector.broadcast %mul3A_58 : f32 to vector<64x1024xf32>
    %mul3A_60 = arith.mulf %tanh3A_57, %mul3A_59 : vector<64x1024xf32>
    %round3A_61 = math.roundeven %mul3A_60 : vector<64x1024xf32>
    %mul3A_62 = arith.constant 2.000000e-01 : f32
    %mul3A_63 = vector.broadcast %mul3A_62 : f32 to vector<64x1024xf32>
    %mul3A_64 = arith.mulf %round3A_61, %mul3A_63 : vector<64x1024xf32>
    %swap3A_65 = arith.constant 3 : index
    %swap3A_66 = arith.constant 0 : index
    %swap3A_67 = arith.constant 0 : index
    %swap3A_68 = vector.load %arg2[%swap3A_65, %swap3A_66, %swap3A_67] : memref<6x64x1024xf32, #tpu.memory_space<vmem>>, vector<1x64x1024xf32>
    %swap3A_69 = vector.shape_cast %swap3A_68 : vector<1x64x1024xf32> to vector<64x1024xf32>
    %swap3A_70 = vector.shape_cast %mul3A_64 : vector<64x1024xf32> to vector<1x64x1024xf32>
    tpu.vector_store %arg2[%swap3A_65, %swap3A_66, %swap3A_67], %swap3A_70 {strides = array<i32>} : memref<6x64x1024xf32, #tpu.memory_space<vmem>>, vector<1x64x1024xf32>,
    %get3A_71 = arith.constant 4 : index
    %get3A_72 = arith.constant 0 : index
    %get3A_73 = arith.constant 0 : index
    %get3A_74 = vector.load %arg1[%get3A_71, %get3A_72, %get3A_73] : memref<6x64x1024xf32, #tpu.memory_space<vmem>>, vector<1x64x1024xf32>
    %get3A_75 = vector.shape_cast %get3A_74 : vector<1x64x1024xf32> to vector<64x1024xf32>
    %tanh3A_76 = math.tanh %get3A_75 : vector<64x1024xf32>
    %mul3A_77 = arith.constant 2.000000e+00 : f32
    %mul3A_78 = vector.broadcast %mul3A_77 : f32 to vector<64x1024xf32>
    %mul3A_79 = arith.mulf %tanh3A_76, %mul3A_78 : vector<64x1024xf32>
    %round3A_80 = math.roundeven %mul3A_79 : vector<64x1024xf32>
    %mul3A_81 = arith.constant 2.000000e-01 : f32
    %mul3A_82 = vector.broadcast %mul3A_81 : f32 to vector<64x1024xf32>
    %mul3A_83 = arith.mulf %round3A_80, %mul3A_82 : vector<64x1024xf32>
    %swap3A_84 = arith.constant 4 : index
    %swap3A_85 = arith.constant 0 : index
    %swap3A_86 = arith.constant 0 : index
    %swap3A_87 = vector.load %arg2[%swap3A_84, %swap3A_85, %swap3A_86] : memref<6x64x1024xf32, #tpu.memory_space<vmem>>, vector<1x64x1024xf32>
    %swap3A_88 = vector.shape_cast %swap3A_87 : vector<1x64x1024xf32> to vector<64x1024xf32>
    %swap3A_89 = vector.shape_cast %mul3A_83 : vector<64x1024xf32> to vector<1x64x1024xf32>
    tpu.vector_store %arg2[%swap3A_84, %swap3A_85, %swap3A_86], %swap3A_89 {strides = array<i32>} : memref<6x64x1024xf32, #tpu.memory_space<vmem>>, vector<1x64x1024xf32>,
    %get3A_90 = arith.constant 5 : index
    %get3A_91 = arith.constant 0 : index
    %get3A_92 = arith.constant 0 : index
    %get3A_93 = vector.load %arg1[%get3A_90, %get3A_91, %get3A_92] : memref<6x64x1024xf32, #tpu.memory_space<vmem>>, vector<1x64x1024xf32>
    %get3A_94 = vector.shape_cast %get3A_93 : vector<1x64x1024xf32> to vector<64x1024xf32>
    %tanh3A_95 = math.tanh %get3A_94 : vector<64x1024xf32>
    %mul3A_96 = arith.constant 2.000000e+00 : f32
    %mul3A_97 = vector.broadcast %mul3A_96 : f32 to vector<64x1024xf32>
    %mul3A_98 = arith.mulf %tanh3A_95, %mul3A_97 : vector<64x1024xf32>
    %round3A_99 = math.roundeven %mul3A_98 : vector<64x1024xf32>
    %mul3A_100 = arith.constant 2.000000e-01 : f32
    %mul3A_101 = vector.broadcast %mul3A_100 : f32 to vector<64x1024xf32>
    %mul3A_102 = arith.mulf %round3A_99, %mul3A_101 : vector<64x1024xf32>
    %swap3A_103 = arith.constant 5 : index
    %swap3A_104 = arith.constant 0 : index
    %swap3A_105 = arith.constant 0 : index
    %swap3A_106 = vector.load %arg2[%swap3A_103, %swap3A_104, %swap3A_105] : memref<6x64x1024xf32, #tpu.memory_space<vmem>>, vector<1x64x1024xf32>
    %swap3A_107 = vector.shape_cast %swap3A_106 : vector<1x64x1024xf32> to vector<64x1024xf32>
    %swap3A_108 = vector.shape_cast %mul3A_102 : vector<64x1024xf32> to vector<1x64x1024xf32>
    tpu.vector_store %arg2[%swap3A_103, %swap3A_104, %swap3A_105], %swap3A_108 {strides = array<i32>} : memref<6x64x1024xf32, #tpu.memory_space<vmem>>, vector<1x64x1024xf32>,
    return
  }
  func.func @transform_0(%arg0: i32) -> (i32, i32, i32) {
    %c0_i32 = arith.constant 0 : i32
    %c0_i32_0 = arith.constant 0 : i32
    %c0_i32_1 = arith.constant 0 : i32
    return %c0_i32, %arg0, %c0_i32_0 : i32, i32, i32
  }
  func.func @transform_1(%arg0: i32) -> (i32, i32, i32) {
    %c0_i32 = arith.constant 0 : i32
    %c0_i32_0 = arith.constant 0 : i32
    %c0_i32_1 = arith.constant 0 : i32
    return %c0_i32, %arg0, %c0_i32_0 : i32, i32, i32
  }
}

module attributes {stable_mosaic.version = 14 : i64} {
  func.func @_tc_flat_body(%arg0: i32, %arg1: memref<6x128x1024xf32, #tpu.memory_space<vmem>>, %arg2: memref<128x1024xi32, #tpu.memory_space<vmem>>) attributes {dimension_semantics = [#tpu.dimension_semantics<arbitrary>], iteration_bounds = array<i64: 2>, scalar_prefetch = 0 : i64, scratch_operands = 0 : i64, tpu.core_type = #tpu.core_type<tc>, window_params = [{transform_indices = @transform_0, window_bounds = array<i64: 6, 128, 1024>}, {transform_indices = @transform_1, window_bounds = array<i64: 128, 1024>}]} {
    %get3A = arith.constant 0 : index
    %get3A_0 = arith.constant 0 : index
    %get3A_1 = arith.constant 0 : index
    %get3A_2 = vector.load %arg1[%get3A, %get3A_0, %get3A_1] : memref<6x128x1024xf32, #tpu.memory_space<vmem>>, vector<1x128x1024xf32>
    %get3A_3 = vector.shape_cast %get3A_2 : vector<1x128x1024xf32> to vector<128x1024xf32>
    %tanh3A = math.tanh %get3A_3 : vector<128x1024xf32>
    %mul3A = arith.constant 4.000000e+00 : f32
    %mul3A_4 = vector.broadcast %mul3A : f32 to vector<128x1024xf32>
    %mul3A_5 = arith.mulf %tanh3A, %mul3A_4 : vector<128x1024xf32>
    %round3A = math.roundeven %mul3A_5 : vector<128x1024xf32>
    %add3A = arith.constant 4.000000e+00 : f32
    %add3A_6 = vector.broadcast %add3A : f32 to vector<128x1024xf32>
    %add3A_7 = arith.addf %round3A, %add3A_6 : vector<128x1024xf32>
    %max3A = arith.constant 0.000000e+00 : f32
    %max3A_8 = vector.broadcast %max3A : f32 to vector<128x1024xf32>
    %max3A_9 = arith.maximumf %add3A_7, %max3A_8 : vector<128x1024xf32>
    %min3A = arith.constant 7.000000e+00 : f32
    %min3A_10 = vector.broadcast %min3A : f32 to vector<128x1024xf32>
    %min3A_11 = arith.minimumf %max3A_9, %min3A_10 : vector<128x1024xf32>
    %mul3A_12 = arith.constant 8.000000e+03 : f32
    %mul3A_13 = vector.broadcast %mul3A_12 : f32 to vector<128x1024xf32>
    %mul3A_14 = arith.mulf %min3A_11, %mul3A_13 : vector<128x1024xf32>
    %get3A_15 = arith.constant 1 : index
    %get3A_16 = arith.constant 0 : index
    %get3A_17 = arith.constant 0 : index
    %get3A_18 = vector.load %arg1[%get3A_15, %get3A_16, %get3A_17] : memref<6x128x1024xf32, #tpu.memory_space<vmem>>, vector<1x128x1024xf32>
    %get3A_19 = vector.shape_cast %get3A_18 : vector<1x128x1024xf32> to vector<128x1024xf32>
    %tanh3A_20 = math.tanh %get3A_19 : vector<128x1024xf32>
    %mul3A_21 = arith.constant 4.000000e+00 : f32
    %mul3A_22 = vector.broadcast %mul3A_21 : f32 to vector<128x1024xf32>
    %mul3A_23 = arith.mulf %tanh3A_20, %mul3A_22 : vector<128x1024xf32>
    %round3A_24 = math.roundeven %mul3A_23 : vector<128x1024xf32>
    %add3A_25 = arith.constant 4.000000e+00 : f32
    %add3A_26 = vector.broadcast %add3A_25 : f32 to vector<128x1024xf32>
    %add3A_27 = arith.addf %round3A_24, %add3A_26 : vector<128x1024xf32>
    %max3A_28 = arith.constant 0.000000e+00 : f32
    %max3A_29 = vector.broadcast %max3A_28 : f32 to vector<128x1024xf32>
    %max3A_30 = arith.maximumf %add3A_27, %max3A_29 : vector<128x1024xf32>
    %min3A_31 = arith.constant 7.000000e+00 : f32
    %min3A_32 = vector.broadcast %min3A_31 : f32 to vector<128x1024xf32>
    %min3A_33 = arith.minimumf %max3A_30, %min3A_32 : vector<128x1024xf32>
    %mul3A_34 = arith.constant 1.000000e+03 : f32
    %mul3A_35 = vector.broadcast %mul3A_34 : f32 to vector<128x1024xf32>
    %mul3A_36 = arith.mulf %min3A_33, %mul3A_35 : vector<128x1024xf32>
    %add3A_37 = arith.addf %mul3A_14, %mul3A_36 : vector<128x1024xf32>
    %get3A_38 = arith.constant 2 : index
    %get3A_39 = arith.constant 0 : index
    %get3A_40 = arith.constant 0 : index
    %get3A_41 = vector.load %arg1[%get3A_38, %get3A_39, %get3A_40] : memref<6x128x1024xf32, #tpu.memory_space<vmem>>, vector<1x128x1024xf32>
    %get3A_42 = vector.shape_cast %get3A_41 : vector<1x128x1024xf32> to vector<128x1024xf32>
    %tanh3A_43 = math.tanh %get3A_42 : vector<128x1024xf32>
    %mul3A_44 = arith.constant 4.000000e+00 : f32
    %mul3A_45 = vector.broadcast %mul3A_44 : f32 to vector<128x1024xf32>
    %mul3A_46 = arith.mulf %tanh3A_43, %mul3A_45 : vector<128x1024xf32>
    %round3A_47 = math.roundeven %mul3A_46 : vector<128x1024xf32>
    %add3A_48 = arith.constant 4.000000e+00 : f32
    %add3A_49 = vector.broadcast %add3A_48 : f32 to vector<128x1024xf32>
    %add3A_50 = arith.addf %round3A_47, %add3A_49 : vector<128x1024xf32>
    %max3A_51 = arith.constant 0.000000e+00 : f32
    %max3A_52 = vector.broadcast %max3A_51 : f32 to vector<128x1024xf32>
    %max3A_53 = arith.maximumf %add3A_50, %max3A_52 : vector<128x1024xf32>
    %min3A_54 = arith.constant 7.000000e+00 : f32
    %min3A_55 = vector.broadcast %min3A_54 : f32 to vector<128x1024xf32>
    %min3A_56 = arith.minimumf %max3A_53, %min3A_55 : vector<128x1024xf32>
    %mul3A_57 = arith.constant 1.250000e+02 : f32
    %mul3A_58 = vector.broadcast %mul3A_57 : f32 to vector<128x1024xf32>
    %mul3A_59 = arith.mulf %min3A_56, %mul3A_58 : vector<128x1024xf32>
    %add3A_60 = arith.addf %add3A_37, %mul3A_59 : vector<128x1024xf32>
    %get3A_61 = arith.constant 3 : index
    %get3A_62 = arith.constant 0 : index
    %get3A_63 = arith.constant 0 : index
    %get3A_64 = vector.load %arg1[%get3A_61, %get3A_62, %get3A_63] : memref<6x128x1024xf32, #tpu.memory_space<vmem>>, vector<1x128x1024xf32>
    %get3A_65 = vector.shape_cast %get3A_64 : vector<1x128x1024xf32> to vector<128x1024xf32>
    %tanh3A_66 = math.tanh %get3A_65 : vector<128x1024xf32>
    %mul3A_67 = arith.constant 2.000000e+00 : f32
    %mul3A_68 = vector.broadcast %mul3A_67 : f32 to vector<128x1024xf32>
    %mul3A_69 = arith.mulf %tanh3A_66, %mul3A_68 : vector<128x1024xf32>
    %round3A_70 = math.roundeven %mul3A_69 : vector<128x1024xf32>
    %add3A_71 = arith.constant 2.000000e+00 : f32
    %add3A_72 = vector.broadcast %add3A_71 : f32 to vector<128x1024xf32>
    %add3A_73 = arith.addf %round3A_70, %add3A_72 : vector<128x1024xf32>
    %max3A_74 = arith.constant 0.000000e+00 : f32
    %max3A_75 = vector.broadcast %max3A_74 : f32 to vector<128x1024xf32>
    %max3A_76 = arith.maximumf %add3A_73, %max3A_75 : vector<128x1024xf32>
    %min3A_77 = arith.constant 4.000000e+00 : f32
    %min3A_78 = vector.broadcast %min3A_77 : f32 to vector<128x1024xf32>
    %min3A_79 = arith.minimumf %max3A_76, %min3A_78 : vector<128x1024xf32>
    %mul3A_80 = arith.constant 2.500000e+01 : f32
    %mul3A_81 = vector.broadcast %mul3A_80 : f32 to vector<128x1024xf32>
    %mul3A_82 = arith.mulf %min3A_79, %mul3A_81 : vector<128x1024xf32>
    %add3A_83 = arith.addf %add3A_60, %mul3A_82 : vector<128x1024xf32>
    %get3A_84 = arith.constant 4 : index
    %get3A_85 = arith.constant 0 : index
    %get3A_86 = arith.constant 0 : index
    %get3A_87 = vector.load %arg1[%get3A_84, %get3A_85, %get3A_86] : memref<6x128x1024xf32, #tpu.memory_space<vmem>>, vector<1x128x1024xf32>
    %get3A_88 = vector.shape_cast %get3A_87 : vector<1x128x1024xf32> to vector<128x1024xf32>
    %tanh3A_89 = math.tanh %get3A_88 : vector<128x1024xf32>
    %mul3A_90 = arith.constant 2.000000e+00 : f32
    %mul3A_91 = vector.broadcast %mul3A_90 : f32 to vector<128x1024xf32>
    %mul3A_92 = arith.mulf %tanh3A_89, %mul3A_91 : vector<128x1024xf32>
    %round3A_93 = math.roundeven %mul3A_92 : vector<128x1024xf32>
    %add3A_94 = arith.constant 2.000000e+00 : f32
    %add3A_95 = vector.broadcast %add3A_94 : f32 to vector<128x1024xf32>
    %add3A_96 = arith.addf %round3A_93, %add3A_95 : vector<128x1024xf32>
    %max3A_97 = arith.constant 0.000000e+00 : f32
    %max3A_98 = vector.broadcast %max3A_97 : f32 to vector<128x1024xf32>
    %max3A_99 = arith.maximumf %add3A_96, %max3A_98 : vector<128x1024xf32>
    %min3A_100 = arith.constant 4.000000e+00 : f32
    %min3A_101 = vector.broadcast %min3A_100 : f32 to vector<128x1024xf32>
    %min3A_102 = arith.minimumf %max3A_99, %min3A_101 : vector<128x1024xf32>
    %mul3A_103 = arith.constant 5.000000e+00 : f32
    %mul3A_104 = vector.broadcast %mul3A_103 : f32 to vector<128x1024xf32>
    %mul3A_105 = arith.mulf %min3A_102, %mul3A_104 : vector<128x1024xf32>
    %add3A_106 = arith.addf %add3A_83, %mul3A_105 : vector<128x1024xf32>
    %get3A_107 = arith.constant 5 : index
    %get3A_108 = arith.constant 0 : index
    %get3A_109 = arith.constant 0 : index
    %get3A_110 = vector.load %arg1[%get3A_107, %get3A_108, %get3A_109] : memref<6x128x1024xf32, #tpu.memory_space<vmem>>, vector<1x128x1024xf32>
    %get3A_111 = vector.shape_cast %get3A_110 : vector<1x128x1024xf32> to vector<128x1024xf32>
    %tanh3A_112 = math.tanh %get3A_111 : vector<128x1024xf32>
    %mul3A_113 = arith.constant 2.000000e+00 : f32
    %mul3A_114 = vector.broadcast %mul3A_113 : f32 to vector<128x1024xf32>
    %mul3A_115 = arith.mulf %tanh3A_112, %mul3A_114 : vector<128x1024xf32>
    %round3A_116 = math.roundeven %mul3A_115 : vector<128x1024xf32>
    %add3A_117 = arith.constant 2.000000e+00 : f32
    %add3A_118 = vector.broadcast %add3A_117 : f32 to vector<128x1024xf32>
    %add3A_119 = arith.addf %round3A_116, %add3A_118 : vector<128x1024xf32>
    %max3A_120 = arith.constant 0.000000e+00 : f32
    %max3A_121 = vector.broadcast %max3A_120 : f32 to vector<128x1024xf32>
    %max3A_122 = arith.maximumf %add3A_119, %max3A_121 : vector<128x1024xf32>
    %min3A_123 = arith.constant 4.000000e+00 : f32
    %min3A_124 = vector.broadcast %min3A_123 : f32 to vector<128x1024xf32>
    %min3A_125 = arith.minimumf %max3A_122, %min3A_124 : vector<128x1024xf32>
    %mul3A_126 = arith.constant 1.000000e+00 : f32
    %mul3A_127 = vector.broadcast %mul3A_126 : f32 to vector<128x1024xf32>
    %mul3A_128 = arith.mulf %min3A_125, %mul3A_127 : vector<128x1024xf32>
    %add3A_129 = arith.addf %add3A_106, %mul3A_128 : vector<128x1024xf32>
    %convert_element_type3A = arith.fptosi %add3A_129 : vector<128x1024xf32> to vector<128x1024xi32>
    %swap3A = arith.constant 0 : index
    %swap3A_130 = arith.constant 0 : index
    %swap3A_131 = vector.load %arg2[%swap3A, %swap3A_130] : memref<128x1024xi32, #tpu.memory_space<vmem>>, vector<128x1024xi32>
    tpu.vector_store %arg2[%swap3A, %swap3A_130], %convert_element_type3A {strides = array<i32>} : memref<128x1024xi32, #tpu.memory_space<vmem>>, vector<128x1024xi32>,
    return
  }
  func.func @transform_0(%arg0: i32) -> (i32, i32, i32) {
    %c0_i32 = arith.constant 0 : i32
    %c0_i32_0 = arith.constant 0 : i32
    %c0_i32_1 = arith.constant 0 : i32
    return %c0_i32, %arg0, %c0_i32_0 : i32, i32, i32
  }
  func.func @transform_1(%arg0: i32) -> (i32, i32) {
    %c0_i32 = arith.constant 0 : i32
    %c0_i32_0 = arith.constant 0 : i32
    return %arg0, %c0_i32 : i32, i32
  }
}

module attributes {stable_mosaic.version = 14 : i64} {
  func.func @_tc_ppl_body(%arg0: memref<2x64000xf32, #tpu.memory_space<vmem>>, %arg1: memref<1x1xf32, #tpu.memory_space<vmem>>) attributes {dimension_semantics = [], scalar_prefetch = 0 : i64, scratch_operands = 0 : i64, tpu.core_type = #tpu.core_type<tc>} {
    %get3A = arith.constant 0 : index
    %get3A_0 = arith.constant 0 : index
    %get3A_1 = vector.load %arg0[%get3A, %get3A_0] : memref<2x64000xf32, #tpu.memory_space<vmem>>, vector<2x64000xf32>
    %slice3A = vector.extract_strided_slice %get3A_1 {offsets = [0, 0], sizes = [1, 64000], strides = [1, 1]} : vector<2x64000xf32> to vector<1x64000xf32>
    %slice3A_2 = vector.extract_strided_slice %get3A_1 {offsets = [1, 0], sizes = [1, 64000], strides = [1, 1]} : vector<2x64000xf32> to vector<1x64000xf32>
    %add3A = arith.addf %slice3A, %slice3A_2 : vector<1x64000xf32>
    %mul3A = arith.constant 3.81469727E-6 : f32
    %mul3A_3 = vector.broadcast %mul3A : f32 to vector<1x64000xf32>
    %mul3A_4 = arith.mulf %add3A, %mul3A_3 : vector<1x64000xf32>
    %add3A_5 = arith.constant 9.99999993E-9 : f32
    %add3A_6 = vector.broadcast %add3A_5 : f32 to vector<1x64000xf32>
    %add3A_7 = arith.addf %mul3A_4, %add3A_6 : vector<1x64000xf32>
    %log3A = math.log %add3A_7 : vector<1x64000xf32>
    %mul3A_8 = arith.mulf %mul3A_4, %log3A : vector<1x64000xf32>
    %reduce_sum3A = vector.shape_cast %mul3A_8 : vector<1x64000xf32> to vector<1x1x64000xf32>
    %reduce_sum3A_9 = arith.constant dense<0.000000e+00> : vector<1xf32>
    %reduce_sum3A_10 = vector.multi_reduction <add>, %reduce_sum3A, %reduce_sum3A_9 [1, 2] : vector<1x1x64000xf32> to vector<1xf32>
    %reduce_sum3A_11 = vector.shape_cast %reduce_sum3A_10 : vector<1xf32> to vector<1x1x1xf32>
    %reduce_sum3A_12 = vector.extract %reduce_sum3A_11[0, 0, 0] : f32 from vector<1x1x1xf32>
    %neg3A = arith.constant 0.000000e+00 : f32
    %neg3A_13 = arith.subf %neg3A, %reduce_sum3A_12 : f32
    %exp3A = math.exp %neg3A_13 : f32
    %broadcast_in_dim3A = arith.constant 1.000000e+00 : f32
    %broadcast_in_dim3A_14 = vector.broadcast %broadcast_in_dim3A : f32 to vector<1x1xf32>
    %mul3A_15 = vector.broadcast %exp3A : f32 to vector<1x1xf32>
    %mul3A_16 = arith.mulf %mul3A_15, %broadcast_in_dim3A_14 : vector<1x1xf32>
    %swap3A = arith.constant 0 : index
    %swap3A_17 = arith.constant 0 : index
    %swap3A_18 = vector.load %arg1[%swap3A, %swap3A_17] : memref<1x1xf32, #tpu.memory_space<vmem>>, vector<1x1xf32>
    tpu.vector_store %arg1[%swap3A, %swap3A_17], %mul3A_16 {strides = array<i32>} : memref<1x1xf32, #tpu.memory_space<vmem>>, vector<1x1xf32>,
    return
  }
}

</mosaic_0001>

<sc_bundles>
// kernel: kernel.6.cloned.1.call-start
scs
__scs_entry_jumppad:
0x0: {  	(pc) =	sbr.rel $0x88, $3  }
0x1: {  	(tag) =	ssettag $0x0;
	lr =	simm.s32 $0x1  }
0x2: {  	[smem:$0x3FA0] =	sst lr;
	_ =	strace $0xD0000000  }
0x3: {  	_ = 	snop  }
0x4: {  	_ = 	snop  }
0x5: {  	_ = 	snop  }
0x6: {  	_ = 	snop  }
0x7: {  	_ = 	snop  }
__scs_overlays_trampoline_lowered:
0x8: {  	[smem:$0x3FAF] =	sst s0  }
0x9: {  	[smem:$0x3FB0] =	sst s1  }
0xa: {  	[smem:$0x3FB1] =	sst s2  }
0xb: {  	[smem:$0x3FB2] =	sst s3  }
0xc: {  	[smem:$0x3FB3] =	sst s4  }
0xd: {  	[smem:$0x3FB4] =	sst s5  }
0xe: {  	[smem:$0x3FB5] =	sst s6  }
0xf: {  	[smem:$0x3FB6] =	sst s7  }
0x10: {  	[smem:$0x3FB7] =	sst s8  }
0x11: {  	[smem:$0x3FB8] =	sst s9;
	s0 =	simm.s32 @!p0 $0x0  }
0x12: {  	s1 =	sld [smem:$0x3F9E];
	s0 =	simm.s32 @p0 $0x1  }
0x13: {  	[smem:$0x3FB9] =	sst s0;
	s0 =	simm.s32 @!p1 $0x0  }
0x14: {  	s2 =	sld [smem:$0x3F9D];
	s0 =	simm.s32 @p1 $0x1  }
0x15: {  	[smem:$0x3FBA] =	sst s0;
	s0 =	simm.s32 @!p2 $0x0  }
0x16: {  	s3 =	sld [smem:$0x3FDB];
	s0 =	simm.s32 @p2 $0x1  }
0x17: {  	s4 =	simm.s32 $0x1BF5;
	[smem:$0x3FBC] =	sst s0  }
0x18: {  	s0 =	sld [smem:$0x3F9F];
	_ =	swait.ge [sflag:s4], $0x0  }
0x19: {  	s7 =	sld [smem:$0x3FA0]  }
0x1a: {  	s8 =	sadd.s32 $0xFFFFE003, lr  }
0x1b: {  	s9 =	sadd.s32 $0xFFFFFEF7, lr;
	s5 =	simm.s32 $0xFFFFFFFF;
	p2 =	slt.u32 s8, $0xFFFFF086  }
0x1c: {  	p1 =	slt.u32 s9, $0xF7A;
	s5 =	simm.s32 @!p2 $0x0  }
0x1d: {  	s5 =	simm.s32 @p1 $0x1;
	p0 =	seq.s32 s7, s2  }
0x1e: {  	s7 =	smul.u32 @!p0 $0xF7A, s2;
	p2 =	seq.s32 @!p0 s5, $0x0  }
0x1f: {  	s9 =	smul.u32 $0xF7A, s1;
	s8 =	simm.s32 @!p0 $0x1BF5;
	p2 =	por !p2, p0  }
0x20: {  	[sflag:s8] =	ssyncset.s32 @!p0 $0xFFFFF086;
	s6 =	sadd.s32 @!p0 s3, s7;
	s7 =	simm.s32 @!p0 $0x108  }
0x21: {  	s3 =	sadd.s32 s3, s9;
	s6 =	sadd.s32 @!p0 $0x88, s6;
	s7 =	simm.s32 @p2 $0x1082  }
0x22: {  	[simem:s7], [sflag:s8] =	dma.local @!p0 [hbm:s6], $0xF7A  }
0x23: {  	s9 =	sor.u32 $0xD0000000, s2;
	s6 =	simm.s32 $0x108;
	_ =	swait.ge @!p0 [sflag:s8], $0x0  }
0x24: {  	s3 =	sadd.s32 $0x88, s3;
	s6 =	simm.s32 @!p1 $0x1082;
	[sflag:s4] =	ssyncset.s32 $0xFFFFF086  }
0x25: {  	[simem:s6], [sflag:s4] =	dma.local [hbm:s3], $0xF7A  }
0x26: {  	[smem:$0x3FA0] =	sst s1;
	(tag) =	ssettag s2;
	_ =	strace s9  }
0x27: {  	s1 =	sld [smem:$0x3FB0]  }
0x28: {  	s2 =	sld [smem:$0x3FB1]  }
0x29: {  	s4 =	sld [smem:$0x3FB3]  }
0x2a: {  	p0 =	seq.s32 s5, $0x0;
	s5 =	sld [smem:$0x3FB4]  }
0x2b: {  	s6 =	sld [smem:$0x3FB5]  }
0x2c: {  	s7 =	sld [smem:$0x3FB6]  }
0x2d: {  	s3 =	simm.s32 $0x108;
	s8 =	sld [smem:$0x3FB7]  }
0x2e: {  	s3 =	simm.s32 @!p0 $0x1082;
	s9 =	sld [smem:$0x3FB8]  }
0x2f: {  	lr =	sadd.s32 s0, s3;
	s0 =	sld [smem:$0x3FAF]  }
0x30: {  	s3 =	sld [smem:$0x3FB2]  }
0x31: {  	[smem:$0x3FBB] =	sst s10  }
0x32: {  	s10 =	sld [smem:$0x3FB9];
	_ =	sdelay $0x3  }
0x33: {  	p0 =	seq.s32 s10, $0x1;
	s10 =	sld [smem:$0x3FBB];
	_ =	sdelay $0x3  }
0x34: {  	[smem:$0x3FBB] =	sst s10  }
0x35: {  	s10 =	sld [smem:$0x3FBA];
	_ =	sdelay $0x3  }
0x36: {  	p1 =	seq.s32 s10, $0x1;
	s10 =	sld [smem:$0x3FBB];
	_ =	sdelay $0x3  }
0x37: {  	[smem:$0x3FBB] =	sst s10  }
0x38: {  	s10 =	sld [smem:$0x3FBC]  }
0x39: {  	_ = 	snop;
	(pc) =	sbr.ind lr, $3  }
0x3a: {  	_ = 	snop  }
0x3b: {  	_ = 	snop  }
0x3c: {  	p2 =	seq.s32 s10, $0x1;
	s10 =	sld [smem:$0x3FBB]  }
0x3d: {  	_ =	shalt  }
0x3e: {  	_ =	shalt  }
0x3f: {  	_ =	shalt  }
0x40: {  	_ =	shalt  }
0x41: {  	_ =	shalt  }
0x42: {  	_ =	shalt  }
0x43: {  	_ =	shalt  }
0x44: {  	_ =	shalt  }
0x45: {  	_ =	shalt  }
0x46: {  	_ =	shalt  }
0x47: {  	_ =	shalt  }
0x48: {  	_ =	shalt  }
0x49: {  	_ =	shalt  }
0x4a: {  	_ =	shalt  }
0x4b: {  	_ =	shalt  }
0x4c: {  	_ =	shalt  }
0x4d: {  	_ =	shalt  }
0x4e: {  	_ =	shalt  }
0x4f: {  	_ =	shalt  }
0x50: {  	_ =	shalt  }
0x51: {  	_ =	shalt  }
0x52: {  	_ =	shalt  }
0x53: {  	_ =	shalt  }
0x54: {  	_ =	shalt  }
0x55: {  	_ =	shalt  }
0x56: {  	_ =	shalt  }
0x57: {  	_ =	shalt  }
0x58: {  	_ =	shalt  }
0x59: {  	_ =	shalt  }
0x5a: {  	_ =	shalt  }
0x5b: {  	_ =	shalt  }
0x5c: {  	_ =	shalt  }
0x5d: {  	_ =	shalt  }
0x5e: {  	_ =	shalt  }
0x5f: {  	_ =	shalt  }
0x60: {  	_ =	shalt  }
0x61: {  	_ =	shalt  }
0x62: {  	_ =	shalt  }
0x63: {  	_ =	shalt  }
0x64: {  	_ =	shalt  }
0x65: {  	_ =	shalt  }
0x66: {  	_ =	shalt  }
0x67: {  	_ =	shalt  }
0x68: {  	_ =	shalt  }
0x69: {  	_ =	shalt  }
0x6a: {  	_ =	shalt  }
0x6b: {  	_ =	shalt  }
0x6c: {  	_ =	shalt  }
0x6d: {  	_ =	shalt  }
0x6e: {  	_ =	shalt  }
0x6f: {  	_ =	shalt  }
0x70: {  	_ =	shalt  }
0x71: {  	_ =	shalt  }
0x72: {  	_ =	shalt  }
0x73: {  	_ =	shalt  }
0x74: {  	_ =	shalt  }
0x75: {  	_ =	shalt  }
0x76: {  	_ =	shalt  }
0x77: {  	_ =	shalt  }
0x78: {  	_ =	shalt  }
0x79: {  	_ =	shalt  }
0x7a: {  	_ =	shalt  }
0x7b: {  	_ =	shalt  }
0x7c: {  	_ =	shalt  }
0x7d: {  	_ =	shalt  }
0x7e: {  	_ =	shalt  }
0x7f: {  	_ =	shalt  }
0x80: {  	_ =	shalt  }
0x81: {  	_ =	shalt  }
0x82: {  	_ =	shalt  }
0x83: {  	_ =	shalt  }
0x84: {  	_ =	shalt  }
0x85: {  	_ =	shalt  }
0x86: {  	_ =	shalt  }
0x87: {  	_ =	shalt  }
.Lfunc_end0:
.L_simem_size_0:
called_computation_lowered:
.L_overlay_start_0:
0x88: {  	s2 =	sld [smem:$0x3FD9]  }
0x89: {  	s3 =	sld [smem:$0x3FFE];
	_ =	sdelay $0x1  }
0x8a: {  	s1 =	srdreg.scid  }
0x8b: {  	s0 =	sand.u32 $0x1, s1  }
0x8c: {  	s16 =	sshll.u32 s0, $0xA;
	s2 =	sadd.s32 s3, s2  }
0x8d: {  	s2 =	sadd.s32 s2, s16  }
0x8e: {  	[smem:$0x3FC7] =	sst s2  }
0x8f: {  	_ = 	snop  }
0x90: {  	(tm) =	ssettm $0x1  }
0x91: {  	s17 =	sld [smem:$0x3FFB];
	_ =	sdelay $0x3  }
0x92: {  	_ =	strace s17  }
0x93: {  	s2 =	sld [smem:$0x3FFC];
	_ =	sdelay $0x3  }
0x94: {  	_ =	strace s2  }
0x95: {  	s2 =	sld [smem:$0x3FFD];
	_ =	sdelay $0x3  }
0x96: {  	_ =	strace s2  }
0x97: {  	_ =	strace $0x8FFFFFFF  }
0x98: {  	s18 =	sld [smem:$0x3FDB];
	_ =	sdelay $0x1  }
0x99: {  	s19 =	simm.s32 $_scs_section_size  }
0x9a: {  	s4 =	simm.s32 $_size__tile_overlayer_lowered;
	s5 =	simm.s32 $_tile_overlayer_lowered  }
0x9b: {  	s22 =	simm.s32 $0x1BFF;
	s21 =	sshll.u32 s5, $0x1;
	s2 =	sadd.s32 s19, s18  }
0x9c: {  	s6 =	simm.s32 $0x0;
	s20 =	sshll.u32 s4, $0x1;
	s4 =	sadd.s32 s21, s2  }
0x9d: {  	[timem:s6], [sflag:s22] =	dma.local [hbm:s4], s20  }
0x9e: {  	_ =	swait.ge [sflag:s22], s20  }
0x9f: {  	s3 =	ssub.s32 $0x0, s20;
	[sflag:s22] =	ssyncset.done $0x0  }
0xa0: {  	[sflag:s22] =	ssyncadd.s32 s3;
	_ =	sdelay $0x1  }
0xa1: {  	s23 =	simm.s32 $0x1B8B  }
0xa2: {  	_ =	swait.ge [sflag:s23], $0x1  }
0xa3: {  	[sflag:s23] =	ssyncset.done $0x0  }
0xa4: {  	s25 =	simm.s32 $0x1B8E;
	s24 =	sld [smem:$0x3FFE];
	[sflag:s23] =	ssyncadd.s32 $0xFFFFFFFF  }
0xa5: {  	s26 =	simm.s32 $execute0_lowered;
	[smem:$0x3FD2] =	sst s25  }
0xa6: {  	s4 =	sshll.u32 s26, $0x1;
	_ =	strace $0x80000046;
	[dreg:$0x1] =	wrdreg $0xFFFFFFFF  }
0xa7: {  	s28 =	simm.s32 $_size_execute0_lowered;
	s2 =	sadd.s32 s2, s4;
	[dreg:$0x0] =	wrdreg $0x0  }
0xa8: {  	s4 =	sshll.u32 s28, $0x1;
	[dreg:$0x2] =	wrdreg s2  }
0xa9: {  	[dreg:$0x3] =	wrdreg s4  }
0xaa: {  	[dreg:$0x4] =	wrdreg $0xC0  }
0xab: {  	_ =	task [dreg:s6], $0x5FFFF  }
0xac: {  	[dreg:$0x1] =	wrdreg $0xFFFFFFFF  }
0xad: {  	[dreg:$0x0] =	wrdreg $0x60  }
0xae: {  	[dreg:$0x2] =	wrdreg s24  }
0xaf: {  	[dreg:$0x3] =	wrdreg $0x20800  }
0xb0: {  	[dreg:$0x4] =	wrdreg $0x9  }
0xb1: {  	_ =	task.clear_ibuf [dreg:s6], $0x5FFFF;
	_ =	strace $0x90000046  }
0xb2: {  	s29 =	simm.s32 $0x9;
	_ =	strace $0x80000048  }
0xb3: {  	_ =	swait.ge [sflag:s29], $0x1  }
0xb4: {  	[sflag:s29] =	ssyncadd.s32 $0xFFFFFFFF  }
0xb5: {  	_ =	strace $0x90000048  }
0xb6: {  	_ =	sfence  }
0xb7: {  	s30 =	sld [smem:$0x0];
	_ =	sdelay $0x2  }
0xb8: {  	s31 =	sshll.u32 s1, $0xD;
	s1 =	sshrl.u32 s1, $0x2  }
0xb9: {  	s3 =	sand.u32 $0x4000, s31;
	s1 =	sadd.s32 s1, s30  }
0xba: {  	s0 =	sor.u32 s3, s0;
	s1 =	sshll.u32 s1, $0x11  }
0xbb: {  	s0 =	sor.u32 s1, s0  }
0xbc: {  	s0 =	sadd.s32 $0x8F2B, s0  }
0xbd: {  	[sflag:s0] =	ssyncadd.remote.s32 $0x1  }
0xbe: {  	_ =	sfence.sel $0xFFFF  }
0xbf: {  	[dreg:$0x0] =	wrdreg $0xFFFFFFFF;
	(pc) =	sbr.abs _section_cstart, $3  }
0xc0: {  	[dreg:$0x1] =	wrdreg $0xFFFFFFFF  }
0xc1: {  	_ =	task.clear_ibuf [dreg:s6], $0x2FFFF;
	_ =	strace $0x9FFFFFFF  }
0xc2: {  	(tm) =	ssettm $0x7FFFFFFF  }
0xc3: {  	_ =	shalt  }
tec
execute0_lowered:
.L_overlay_start_1:
0x0: {  	(tag) =	ssettag $0x1  }
0x1: {  	s0 =	rddreg [dreg:$0x0]  }
0x2: {  	s1 =	rddreg [dreg:$0x1];
	s3 =	srdreg.scid;
	s2 =	simm.s32 $0x0  }
0x3: {  	s6 =	stileid.u32;
	s10 =	simm.s32 $0x2000;
	s16 =	simm.s32 $0x1880  }
0x4: {  	s17 =	simm.s32 $0x1900;
	s18 =	simm.s32 $0x1980;
	s19 =	simm.s32 $0x1A00  }
0x5: {  	s20 =	simm.s32 $0x1A80;
	s21 =	simm.s32 $0x1B00;
	s22 =	simm.s32 $0x1B80  }
0x6: {  	s23 =	simm.s32 $0x1C00;
	s24 =	simm.s32 $0x1C80;
	s25 =	simm.s32 $0x1D00  }
0x7: {  	s28 =	simm.s32 $0x1E00;
	s29 =	simm.s32 $0x1E80;
	s30 =	simm.s32 $0x1F00  }
0x8: {  	s31 =	simm.s32 $0x1F80;
	s11 =	simm.s32 $0x0;
	s4 =	sand.u32 $0x1, s3  }
0x9: {  	[smem:$0x7FF] =	sst s2;
	s9 =	sshll.u32 s6, $0xB;
	p0 =	sne.s32 s6, $0x0  }
0xa: {  	s3 =	sshll.u32 s4, $0xA;
	_ =	strace $0x80000047;
	s7 =	ssub.s32 $0x2, s4  }
0xb: {  	s4 =	sshll.u32 s4, $0x4;
	s5 =	sadd.s32 s3, s0;
	s8 =	sshrl.u32 s7, $0x1  }
0xc: {  	s3 =	sadd.s32 $0x8800, s0;
	s0 =	sadd.s32 s4, s0;
	s7 =	ssub.s32 s7, s8  }
0xd: {  	s26 =	sadd.s32 s9, s5;
	s5 =	sadd.s32 $0xA800, s0;
	s8 =	simm.s32 $0x2  }
0xe: {  	s9 =	simm.s32 $0x80;
	s0 =	simm.s32 $0x1;
	s4 =	sadd.s32 $0x800, s26  }
0xf: {  	v0 =	vimm.f32 $1.000000000e+00;
	s6 =	smax.u32 s7, $0x1;
	s7 =	sshrl.u32 @!p0 s1, $0x3;
	s26 =	simm.s32 $0x1D80  }
.LBB2_1:
0x10: {  	s12 =	simm.s32 @!p0 $0x1C02  }
0x11: {  	[spmem:s7], [sflag:s12] =	dma.local @!p0 [hbm:s3], $0x1F40  }
0x12: {  	s12 =	simm.s32 @!p0 $0x2  }
0x13: {  	_ =	swait.ge @!p0 [sflag:s12], $0x1F40  }
0x14: {  	[sflag:s12] =	ssyncset.done @!p0 $0x0  }
0x15: {  	[sflag:s12] =	ssyncadd.s32 @!p0 $0xFFFFE0C0  }
0x16: {  	[tilespmem:s2], [sflag:$0x2] =	stream.linear.gather [hbm4b:s4+s2], $0x2000, $0x38;
	[tilespmem:$0x3020] =	vst v63  }
0x17: {  	_ =	swait.ge [sflag:s8], $0x2000  }
0x18: {  	[sflag:s8] =	ssyncset.done $0x0  }
0x19: {  	[sflag:s8] =	ssyncadd.s32 $0xFFFFE000  }
0x1a: {  	[tilespmem:$0x2000] =	vst v0  }
0x1b: {  	[tilespmem:$0x2010] =	vst v0  }
0x1c: {  	[tilespmem:$0x2020] =	vst v0  }
0x1d: {  	[tilespmem:$0x2030] =	vst v0  }
0x1e: {  	[tilespmem:$0x2040] =	vst v0  }
0x1f: {  	[tilespmem:$0x2050] =	vst v0  }
0x20: {  	[tilespmem:$0x2060] =	vst v0  }
0x21: {  	[tilespmem:$0x2070] =	vst v0  }
0x22: {  	[bflag:$0x0] =	sbarrier.arrive $0xFFFF  }
0x23: {  	[spmem:s1] =	stream.indirect.scatter.add.f32 [tilespmem:s10], [sflag:$0x1], $0x1, s2, s9, $0xb8;
	[tilespmem:$0x3020] =	vst v63  }
0x24: {  	_ = 	snop  }
0x25: {  	[spmem:s1] =	stream.indirect.scatter.add.f32 [tilespmem:s10], [sflag:$0x1], $0x1, s9, s9, $0xb8;
	[tilespmem:$0x3020] =	vst v63  }
0x26: {  	s14 =	simm.s32 $0x100  }
0x27: {  	[spmem:s1] =	stream.indirect.scatter.add.f32 [tilespmem:s10], [sflag:$0x1], $0x1, s14, s9, $0xb8;
	[tilespmem:$0x3020] =	vst v63  }
0x28: {  	s15 =	simm.s32 $0x180  }
0x29: {  	[spmem:s1] =	stream.indirect.scatter.add.f32 [tilespmem:s10], [sflag:$0x1], $0x1, s15, s9, $0xb8;
	[tilespmem:$0x3020] =	vst v63  }
0x2a: {  	s13 =	simm.s32 $0x200  }
0x2b: {  	[spmem:s1] =	stream.indirect.scatter.add.f32 [tilespmem:s10], [sflag:$0x1], $0x1, s13, s9, $0xb8;
	[tilespmem:$0x3020] =	vst v63  }
0x2c: {  	s14 =	simm.s32 $0x280  }
0x2d: {  	[spmem:s1] =	stream.indirect.scatter.add.f32 [tilespmem:s10], [sflag:$0x1], $0x1, s14, s9, $0xb8;
	[tilespmem:$0x3020] =	vst v63  }
0x2e: {  	s15 =	simm.s32 $0x300  }
0x2f: {  	[spmem:s1] =	stream.indirect.scatter.add.f32 [tilespmem:s10], [sflag:$0x1], $0x1, s15, s9, $0xb8;
	[tilespmem:$0x3020] =	vst v63  }
0x30: {  	s13 =	simm.s32 $0x380  }
0x31: {  	[spmem:s1] =	stream.indirect.scatter.add.f32 [tilespmem:s10], [sflag:$0x1], $0x1, s13, s9, $0xb8;
	[tilespmem:$0x3020] =	vst v63  }
0x32: {  	s14 =	simm.s32 $0x400  }
0x33: {  	[spmem:s1] =	stream.indirect.scatter.add.f32 [tilespmem:s10], [sflag:$0x1], $0x1, s14, s9, $0xb8;
	[tilespmem:$0x3020] =	vst v63  }
0x34: {  	s15 =	simm.s32 $0x480  }
0x35: {  	[spmem:s1] =	stream.indirect.scatter.add.f32 [tilespmem:s10], [sflag:$0x1], $0x1, s15, s9, $0xb8;
	[tilespmem:$0x3020] =	vst v63  }
0x36: {  	s13 =	simm.s32 $0x500  }
0x37: {  	[spmem:s1] =	stream.indirect.scatter.add.f32 [tilespmem:s10], [sflag:$0x1], $0x1, s13, s9, $0xb8;
	[tilespmem:$0x3020] =	vst v63  }
0x38: {  	s14 =	simm.s32 $0x580  }
0x39: {  	[spmem:s1] =	stream.indirect.scatter.add.f32 [tilespmem:s10], [sflag:$0x1], $0x1, s14, s9, $0xb8;
	[tilespmem:$0x3020] =	vst v63  }
0x3a: {  	s15 =	simm.s32 $0x600  }
0x3b: {  	[spmem:s1] =	stream.indirect.scatter.add.f32 [tilespmem:s10], [sflag:$0x1], $0x1, s15, s9, $0xb8;
	[tilespmem:$0x3020] =	vst v63  }
0x3c: {  	s13 =	simm.s32 $0x680  }
0x3d: {  	[spmem:s1] =	stream.indirect.scatter.add.f32 [tilespmem:s10], [sflag:$0x1], $0x1, s13, s9, $0xb8;
	[tilespmem:$0x3020] =	vst v63  }
0x3e: {  	s14 =	simm.s32 $0x700  }
0x3f: {  	[spmem:s1] =	stream.indirect.scatter.add.f32 [tilespmem:s10], [sflag:$0x1], $0x1, s14, s9, $0xb8;
	[tilespmem:$0x3020] =	vst v63  }
0x40: {  	s15 =	simm.s32 $0x780  }
0x41: {  	[spmem:s1] =	stream.indirect.scatter.add.f32 [tilespmem:s10], [sflag:$0x1], $0x1, s15, s9, $0xb8;
	[tilespmem:$0x3020] =	vst v63  }
0x42: {  	s13 =	simm.s32 $0x800  }
0x43: {  	[spmem:s1] =	stream.indirect.scatter.add.f32 [tilespmem:s10], [sflag:$0x1], $0x1, s13, s9, $0xb8;
	[tilespmem:$0x3020] =	vst v63  }
0x44: {  	s14 =	simm.s32 $0x880  }
0x45: {  	[spmem:s1] =	stream.indirect.scatter.add.f32 [tilespmem:s10], [sflag:$0x1], $0x1, s14, s9, $0xb8;
	[tilespmem:$0x3020] =	vst v63  }
0x46: {  	s15 =	simm.s32 $0x900  }
0x47: {  	[spmem:s1] =	stream.indirect.scatter.add.f32 [tilespmem:s10], [sflag:$0x1], $0x1, s15, s9, $0xb8;
	[tilespmem:$0x3020] =	vst v63  }
0x48: {  	s13 =	simm.s32 $0x980  }
0x49: {  	[spmem:s1] =	stream.indirect.scatter.add.f32 [tilespmem:s10], [sflag:$0x1], $0x1, s13, s9, $0xb8;
	[tilespmem:$0x3020] =	vst v63  }
0x4a: {  	s14 =	simm.s32 $0xA00  }
0x4b: {  	[spmem:s1] =	stream.indirect.scatter.add.f32 [tilespmem:s10], [sflag:$0x1], $0x1, s14, s9, $0xb8;
	[tilespmem:$0x3020] =	vst v63  }
0x4c: {  	s15 =	simm.s32 $0xA80  }
0x4d: {  	[spmem:s1] =	stream.indirect.scatter.add.f32 [tilespmem:s10], [sflag:$0x1], $0x1, s15, s9, $0xb8;
	[tilespmem:$0x3020] =	vst v63  }
0x4e: {  	s13 =	simm.s32 $0xB00  }
0x4f: {  	[spmem:s1] =	stream.indirect.scatter.add.f32 [tilespmem:s10], [sflag:$0x1], $0x1, s13, s9, $0xb8;
	[tilespmem:$0x3020] =	vst v63  }
0x50: {  	s14 =	simm.s32 $0xB80  }
0x51: {  	[spmem:s1] =	stream.indirect.scatter.add.f32 [tilespmem:s10], [sflag:$0x1], $0x1, s14, s9, $0xb8;
	[tilespmem:$0x3020] =	vst v63  }
0x52: {  	s15 =	simm.s32 $0xC00  }
0x53: {  	[spmem:s1] =	stream.indirect.scatter.add.f32 [tilespmem:s10], [sflag:$0x1], $0x1, s15, s9, $0xb8;
	[tilespmem:$0x3020] =	vst v63  }
0x54: {  	s13 =	simm.s32 $0xC80  }
0x55: {  	[spmem:s1] =	stream.indirect.scatter.add.f32 [tilespmem:s10], [sflag:$0x1], $0x1, s13, s9, $0xb8;
	[tilespmem:$0x3020] =	vst v63  }
0x56: {  	s14 =	simm.s32 $0xD00  }
0x57: {  	[spmem:s1] =	stream.indirect.scatter.add.f32 [tilespmem:s10], [sflag:$0x1], $0x1, s14, s9, $0xb8;
	[tilespmem:$0x3020] =	vst v63  }
0x58: {  	s15 =	simm.s32 $0xD80  }
0x59: {  	[spmem:s1] =	stream.indirect.scatter.add.f32 [tilespmem:s10], [sflag:$0x1], $0x1, s15, s9, $0xb8;
	[tilespmem:$0x3020] =	vst v63  }
0x5a: {  	s13 =	simm.s32 $0xE00  }
0x5b: {  	[spmem:s1] =	stream.indirect.scatter.add.f32 [tilespmem:s10], [sflag:$0x1], $0x1, s13, s9, $0xb8;
	[tilespmem:$0x3020] =	vst v63  }
0x5c: {  	s14 =	simm.s32 $0xE80  }
0x5d: {  	[spmem:s1] =	stream.indirect.scatter.add.f32 [tilespmem:s10], [sflag:$0x1], $0x1, s14, s9, $0xb8;
	[tilespmem:$0x3020] =	vst v63  }
0x5e: {  	s15 =	simm.s32 $0xF00  }
0x5f: {  	[spmem:s1] =	stream.indirect.scatter.add.f32 [tilespmem:s10], [sflag:$0x1], $0x1, s15, s9, $0xb8;
	[tilespmem:$0x3020] =	vst v63  }
0x60: {  	s13 =	simm.s32 $0xF80  }
0x61: {  	[spmem:s1] =	stream.indirect.scatter.add.f32 [tilespmem:s10], [sflag:$0x1], $0x1, s13, s9, $0xb8;
	[tilespmem:$0x3020] =	vst v63  }
0x62: {  	s14 =	simm.s32 $0x1000  }
0x63: {  	[spmem:s1] =	stream.indirect.scatter.add.f32 [tilespmem:s10], [sflag:$0x1], $0x1, s14, s9, $0xb8;
	[tilespmem:$0x3020] =	vst v63  }
0x64: {  	s15 =	simm.s32 $0x1080  }
0x65: {  	[spmem:s1] =	stream.indirect.scatter.add.f32 [tilespmem:s10], [sflag:$0x1], $0x1, s15, s9, $0xb8;
	[tilespmem:$0x3020] =	vst v63  }
0x66: {  	s13 =	simm.s32 $0x1100  }
0x67: {  	[spmem:s1] =	stream.indirect.scatter.add.f32 [tilespmem:s10], [sflag:$0x1], $0x1, s13, s9, $0xb8;
	[tilespmem:$0x3020] =	vst v63  }
0x68: {  	s14 =	simm.s32 $0x1180  }
0x69: {  	[spmem:s1] =	stream.indirect.scatter.add.f32 [tilespmem:s10], [sflag:$0x1], $0x1, s14, s9, $0xb8;
	[tilespmem:$0x3020] =	vst v63  }
0x6a: {  	s15 =	simm.s32 $0x1200  }
0x6b: {  	[spmem:s1] =	stream.indirect.scatter.add.f32 [tilespmem:s10], [sflag:$0x1], $0x1, s15, s9, $0xb8;
	[tilespmem:$0x3020] =	vst v63  }
0x6c: {  	s13 =	simm.s32 $0x1280  }
0x6d: {  	[spmem:s1] =	stream.indirect.scatter.add.f32 [tilespmem:s10], [sflag:$0x1], $0x1, s13, s9, $0xb8;
	[tilespmem:$0x3020] =	vst v63  }
0x6e: {  	s14 =	simm.s32 $0x1300  }
0x6f: {  	[spmem:s1] =	stream.indirect.scatter.add.f32 [tilespmem:s10], [sflag:$0x1], $0x1, s14, s9, $0xb8;
	[tilespmem:$0x3020] =	vst v63  }
0x70: {  	s15 =	simm.s32 $0x1380  }
0x71: {  	[spmem:s1] =	stream.indirect.scatter.add.f32 [tilespmem:s10], [sflag:$0x1], $0x1, s15, s9, $0xb8;
	[tilespmem:$0x3020] =	vst v63  }
0x72: {  	s13 =	simm.s32 $0x1400  }
0x73: {  	[spmem:s1] =	stream.indirect.scatter.add.f32 [tilespmem:s10], [sflag:$0x1], $0x1, s13, s9, $0xb8;
	[tilespmem:$0x3020] =	vst v63  }
0x74: {  	s14 =	simm.s32 $0x1480  }
0x75: {  	[spmem:s1] =	stream.indirect.scatter.add.f32 [tilespmem:s10], [sflag:$0x1], $0x1, s14, s9, $0xb8;
	[tilespmem:$0x3020] =	vst v63  }
0x76: {  	s15 =	simm.s32 $0x1500  }
0x77: {  	[spmem:s1] =	stream.indirect.scatter.add.f32 [tilespmem:s10], [sflag:$0x1], $0x1, s15, s9, $0xb8;
	[tilespmem:$0x3020] =	vst v63  }
0x78: {  	s13 =	simm.s32 $0x1580  }
0x79: {  	[spmem:s1] =	stream.indirect.scatter.add.f32 [tilespmem:s10], [sflag:$0x1], $0x1, s13, s9, $0xb8;
	[tilespmem:$0x3020] =	vst v63  }
0x7a: {  	s14 =	simm.s32 $0x1600  }
0x7b: {  	[spmem:s1] =	stream.indirect.scatter.add.f32 [tilespmem:s10], [sflag:$0x1], $0x1, s14, s9, $0xb8;
	[tilespmem:$0x3020] =	vst v63  }
0x7c: {  	s15 =	simm.s32 $0x1680  }
0x7d: {  	[spmem:s1] =	stream.indirect.scatter.add.f32 [tilespmem:s10], [sflag:$0x1], $0x1, s15, s9, $0xb8;
	[tilespmem:$0x3020] =	vst v63  }
0x7e: {  	s13 =	simm.s32 $0x1700  }
0x7f: {  	[spmem:s1] =	stream.indirect.scatter.add.f32 [tilespmem:s10], [sflag:$0x1], $0x1, s13, s9, $0xb8;
	[tilespmem:$0x3020] =	vst v63  }
0x80: {  	s14 =	simm.s32 $0x1780  }
0x81: {  	[spmem:s1] =	stream.indirect.scatter.add.f32 [tilespmem:s10], [sflag:$0x1], $0x1, s14, s9, $0xb8;
	[tilespmem:$0x3020] =	vst v63  }
0x82: {  	s15 =	simm.s32 $0x1800  }
0x83: {  	[spmem:s1] =	stream.indirect.scatter.add.f32 [tilespmem:s10], [sflag:$0x1], $0x1, s15, s9, $0xb8;
	[tilespmem:$0x3020] =	vst v63  }
0x84: {  	_ = 	snop  }
0x85: {  	[spmem:s1] =	stream.indirect.scatter.add.f32 [tilespmem:s10], [sflag:$0x1], $0x1, s16, s9, $0xb8;
	[tilespmem:$0x3020] =	vst v63  }
0x86: {  	_ = 	snop  }
0x87: {  	[spmem:s1] =	stream.indirect.scatter.add.f32 [tilespmem:s10], [sflag:$0x1], $0x1, s17, s9, $0xb8;
	[tilespmem:$0x3020] =	vst v63  }
0x88: {  	_ = 	snop  }
0x89: {  	[spmem:s1] =	stream.indirect.scatter.add.f32 [tilespmem:s10], [sflag:$0x1], $0x1, s18, s9, $0xb8;
	[tilespmem:$0x3020] =	vst v63  }
0x8a: {  	_ = 	snop  }
0x8b: {  	[spmem:s1] =	stream.indirect.scatter.add.f32 [tilespmem:s10], [sflag:$0x1], $0x1, s19, s9, $0xb8;
	[tilespmem:$0x3020] =	vst v63  }
0x8c: {  	_ = 	snop  }
0x8d: {  	[spmem:s1] =	stream.indirect.scatter.add.f32 [tilespmem:s10], [sflag:$0x1], $0x1, s20, s9, $0xb8;
	[tilespmem:$0x3020] =	vst v63  }
0x8e: {  	_ = 	snop  }
0x8f: {  	[spmem:s1] =	stream.indirect.scatter.add.f32 [tilespmem:s10], [sflag:$0x1], $0x1, s21, s9, $0xb8;
	[tilespmem:$0x3020] =	vst v63  }
0x90: {  	_ = 	snop  }
0x91: {  	[spmem:s1] =	stream.indirect.scatter.add.f32 [tilespmem:s10], [sflag:$0x1], $0x1, s22, s9, $0xb8;
	[tilespmem:$0x3020] =	vst v63  }
0x92: {  	_ = 	snop  }
0x93: {  	[spmem:s1] =	stream.indirect.scatter.add.f32 [tilespmem:s10], [sflag:$0x1], $0x1, s23, s9, $0xb8;
	[tilespmem:$0x3020] =	vst v63  }
0x94: {  	_ = 	snop  }
0x95: {  	[spmem:s1] =	stream.indirect.scatter.add.f32 [tilespmem:s10], [sflag:$0x1], $0x1, s24, s9, $0xb8;
	[tilespmem:$0x3020] =	vst v63  }
0x96: {  	_ = 	snop  }
0x97: {  	[spmem:s1] =	stream.indirect.scatter.add.f32 [tilespmem:s10], [sflag:$0x1], $0x1, s25, s9, $0xb8;
	[tilespmem:$0x3020] =	vst v63  }
0x98: {  	_ = 	snop  }
0x99: {  	[spmem:s1] =	stream.indirect.scatter.add.f32 [tilespmem:s10], [sflag:$0x1], $0x1, s26, s9, $0xb8;
	[tilespmem:$0x3020] =	vst v63  }
0x9a: {  	_ = 	snop  }
0x9b: {  	[spmem:s1] =	stream.indirect.scatter.add.f32 [tilespmem:s10], [sflag:$0x1], $0x1, s28, s9, $0xb8;
	[tilespmem:$0x3020] =	vst v63  }
0x9c: {  	_ = 	snop  }
0x9d: {  	[spmem:s1] =	stream.indirect.scatter.add.f32 [tilespmem:s10], [sflag:$0x1], $0x1, s29, s9, $0xb8;
	[tilespmem:$0x3020] =	vst v63  }
0x9e: {  	_ = 	snop  }
0x9f: {  	[spmem:s1] =	stream.indirect.scatter.add.f32 [tilespmem:s10], [sflag:$0x1], $0x1, s30, s9, $0xb8;
	[tilespmem:$0x3020] =	vst v63  }
0xa0: {  	_ = 	snop  }
0xa1: {  	[spmem:s1] =	stream.indirect.scatter.add.f32 [tilespmem:s10], [sflag:$0x1], $0x1, s31, s9, $0xb8;
	[tilespmem:$0x3020] =	vst v63  }
0xa2: {  	_ =	swait.ge [sflag:s0], $0x80  }
0xa3: {  	[sflag:s0] =	ssyncset.done $0x0  }
0xa4: {  	[sflag:s0] =	ssyncadd.s32 $0xFFFFFF80  }
0xa5: {  	_ =	swait.ge [sflag:s0], $0x80  }
0xa6: {  	[sflag:s0] =	ssyncset.done $0x0  }
0xa7: {  	[sflag:s0] =	ssyncadd.s32 $0xFFFFFF80  }
0xa8: {  	_ =	swait.ge [sflag:s0], $0x80  }
0xa9: {  	[sflag:s0] =	ssyncset.done $0x0  }
0xaa: {  	[sflag:s0] =	ssyncadd.s32 $0xFFFFFF80  }
0xab: {  	_ =	swait.ge [sflag:s0], $0x80  }
0xac: {  	[sflag:s0] =	ssyncset.done $0x0  }
0xad: {  	[sflag:s0] =	ssyncadd.s32 $0xFFFFFF80  }
0xae: {  	_ =	swait.ge [sflag:s0], $0x80  }
0xaf: {  	[sflag:s0] =	ssyncset.done $0x0  }
0xb0: {  	[sflag:s0] =	ssyncadd.s32 $0xFFFFFF80  }
0xb1: {  	_ =	swait.ge [sflag:s0], $0x80  }
0xb2: {  	[sflag:s0] =	ssyncset.done $0x0  }
0xb3: {  	[sflag:s0] =	ssyncadd.s32 $0xFFFFFF80  }
0xb4: {  	_ =	swait.ge [sflag:s0], $0x80  }
0xb5: {  	[sflag:s0] =	ssyncset.done $0x0  }
0xb6: {  	[sflag:s0] =	ssyncadd.s32 $0xFFFFFF80  }
0xb7: {  	_ =	swait.ge [sflag:s0], $0x80  }
0xb8: {  	[sflag:s0] =	ssyncset.done $0x0  }
0xb9: {  	[sflag:s0] =	ssyncadd.s32 $0xFFFFFF80  }
0xba: {  	_ =	swait.ge [sflag:s0], $0x80  }
0xbb: {  	[sflag:s0] =	ssyncset.done $0x0  }
0xbc: {  	[sflag:s0] =	ssyncadd.s32 $0xFFFFFF80  }
0xbd: {  	_ =	swait.ge [sflag:s0], $0x80  }
0xbe: {  	[sflag:s0] =	ssyncset.done $0x0  }
0xbf: {  	[sflag:s0] =	ssyncadd.s32 $0xFFFFFF80  }
0xc0: {  	_ =	swait.ge [sflag:s0], $0x80  }
0xc1: {  	[sflag:s0] =	ssyncset.done $0x0  }
0xc2: {  	[sflag:s0] =	ssyncadd.s32 $0xFFFFFF80  }
0xc3: {  	_ =	swait.ge [sflag:s0], $0x80  }
0xc4: {  	[sflag:s0] =	ssyncset.done $0x0  }
0xc5: {  	[sflag:s0] =	ssyncadd.s32 $0xFFFFFF80  }
0xc6: {  	_ =	swait.ge [sflag:s0], $0x80  }
0xc7: {  	[sflag:s0] =	ssyncset.done $0x0  }
0xc8: {  	[sflag:s0] =	ssyncadd.s32 $0xFFFFFF80  }
0xc9: {  	_ =	swait.ge [sflag:s0], $0x80  }
0xca: {  	[sflag:s0] =	ssyncset.done $0x0  }
0xcb: {  	[sflag:s0] =	ssyncadd.s32 $0xFFFFFF80  }
0xcc: {  	_ =	swait.ge [sflag:s0], $0x80  }
0xcd: {  	[sflag:s0] =	ssyncset.done $0x0  }
0xce: {  	[sflag:s0] =	ssyncadd.s32 $0xFFFFFF80  }
0xcf: {  	_ =	swait.ge [sflag:s0], $0x80  }
0xd0: {  	s12 =	simm.s32 $0x3;
	[sflag:s0] =	ssyncset.done $0x0  }
.LBB2_2:
0xd1: {  	p1 =	sne.s32 s12, $0x1;
	s12 =	sadd.s32 $0xFFFFFFFF, s12;
	[sflag:s0] =	ssyncadd.s32 $0xFFFFFF80  }
0xd2: {  	_ =	swait.ge [sflag:s0], $0x80  }
0xd3: {  	[sflag:s0] =	ssyncset.done $0x0  }
0xd4: {  	[sflag:s0] =	ssyncadd.s32 $0xFFFFFF80  }
0xd5: {  	_ =	swait.ge [sflag:s0], $0x80  }
0xd6: {  	[sflag:s0] =	ssyncset.done $0x0  }
0xd7: {  	[sflag:s0] =	ssyncadd.s32 $0xFFFFFF80  }
0xd8: {  	_ =	swait.ge [sflag:s0], $0x80  }
0xd9: {  	[sflag:s0] =	ssyncset.done $0x0  }
0xda: {  	[sflag:s0] =	ssyncadd.s32 $0xFFFFFF80  }
0xdb: {  	_ =	swait.ge [sflag:s0], $0x80  }
0xdc: {  	[sflag:s0] =	ssyncset.done $0x0  }
0xdd: {  	[sflag:s0] =	ssyncadd.s32 $0xFFFFFF80  }
0xde: {  	_ =	swait.ge [sflag:s0], $0x80  }
0xdf: {  	[sflag:s0] =	ssyncset.done $0x0  }
0xe0: {  	[sflag:s0] =	ssyncadd.s32 $0xFFFFFF80  }
0xe1: {  	_ =	swait.ge [sflag:s0], $0x80  }
0xe2: {  	[sflag:s0] =	ssyncset.done $0x0  }
0xe3: {  	[sflag:s0] =	ssyncadd.s32 $0xFFFFFF80  }
0xe4: {  	_ =	swait.ge [sflag:s0], $0x80  }
0xe5: {  	[sflag:s0] =	ssyncset.done $0x0  }
0xe6: {  	[sflag:s0] =	ssyncadd.s32 $0xFFFFFF80  }
0xe7: {  	_ =	swait.ge [sflag:s0], $0x80  }
0xe8: {  	[sflag:s0] =	ssyncset.done $0x0  }
0xe9: {  	[sflag:s0] =	ssyncadd.s32 $0xFFFFFF80  }
0xea: {  	_ =	swait.ge [sflag:s0], $0x80  }
0xeb: {  	[sflag:s0] =	ssyncset.done $0x0  }
0xec: {  	[sflag:s0] =	ssyncadd.s32 $0xFFFFFF80  }
0xed: {  	_ =	swait.ge [sflag:s0], $0x80  }
0xee: {  	[sflag:s0] =	ssyncset.done $0x0  }
0xef: {  	[sflag:s0] =	ssyncadd.s32 $0xFFFFFF80  }
0xf0: {  	_ =	swait.ge [sflag:s0], $0x80  }
0xf1: {  	[sflag:s0] =	ssyncset.done $0x0  }
0xf2: {  	[sflag:s0] =	ssyncadd.s32 $0xFFFFFF80  }
0xf3: {  	_ =	swait.ge [sflag:s0], $0x80  }
0xf4: {  	[sflag:s0] =	ssyncset.done $0x0  }
0xf5: {  	[sflag:s0] =	ssyncadd.s32 $0xFFFFFF80  }
0xf6: {  	_ =	swait.ge [sflag:s0], $0x80  }
0xf7: {  	[sflag:s0] =	ssyncset.done $0x0  }
0xf8: {  	[sflag:s0] =	ssyncadd.s32 $0xFFFFFF80  }
0xf9: {  	_ =	swait.ge [sflag:s0], $0x80  }
0xfa: {  	[sflag:s0] =	ssyncset.done $0x0  }
0xfb: {  	[sflag:s0] =	ssyncadd.s32 $0xFFFFFF80  }
.Ltmp0:
0xfc: {  	_ =	swait.ge [sflag:s0], $0x80;
	(pc) =	sbr.rel @p1 .LBB2_2-.Ltmp0, $4  }
0xfd: {  	[sflag:s0] =	ssyncset.done $0x0  }
0xfe: {  	[sflag:s0] =	ssyncadd.s32 $0xFFFFFF80  }
0xff: {  	_ =	swait.ge [sflag:s0], $0x80  }
0x100: {  	[sflag:s0] =	ssyncset.done $0x0  }
0x101: {  	[sflag:s0] =	ssyncadd.s32 $0xFFFFFF80;
	s12 =	simm.s32 @!p0 $0x1  }
0x102: {  	s13 =	simm.s32 @!p0 $0x20;
	s14 =	simm.s32 @!p0 $0x10;
	s11 =	sadd.s32 $0x1, s11  }
0x103: {  	s15 =	simm.s32 @!p0 $0x1C02;
	[bflag:$0x0] =	sbarrier.arrive $0xFFFF;
	p1 =	sne.s32 s11, s6  }
0x104: {  	[hbm:s5@s13], [sflag:s15] =	dma.strided @!p0 [spmem:s7@s14], $0x1F40, s12, $0x10   }
.Ltmp1:
0x105: {  	_ = 	snop;
	(pc) =	sbr.rel @p1 .LBB2_1-.Ltmp1, $4  }
0x106: {  	s12 =	simm.s32 @!p0 $0x2  }
0x107: {  	_ =	swait.ge @!p0 [sflag:s12], $0x1F40  }
0x108: {  	[sflag:s12] =	ssyncset.done @!p0 $0x0  }
0x109: {  	[sflag:s12] =	ssyncadd.s32 @!p0 $0xFFFFE0C0  }
0x10a: {  	_ =	sfence.sel $0x180000  }
0x10b: {  	[bflag:$0x0] =	sbarrier.arrive $0xFFFF  }
0x10c: {  	_ =	strace $0x90000047  }
0x10d: {  	[bflag:$0x2] =	sbarrier.arrive $0xFFFF  }
0x10e: {  	s0 =	rddreg [dreg:$0x2]  }
0x10f: {  	s0 =	sadd.s32 @!p0 $0x100000, s0  }
0x110: {  	[sflag:s0] =	ssyncadd.tile.s32 @!p0 $0x1;
	_ =	shalt  }
.Lfunc_end2:
_tile_overlayer_lowered:
.L_overlay_start_2:
0x111: {  	(tag) =	ssettag $0x2  }
0x112: {  	s0 =	rddreg [dreg:$0x0];
	s2 =	stileid.u32  }
0x113: {  	s1 =	rddreg [dreg:$0x1];
	p0 =	sne.s32 s2, $0x0  }
0x114: {  	s3 =	rddreg [dreg:$0x2];
	[bflag:$0x3] =	sbarrier.arrive $0xFFFF;
	s2 =	simm.s32 @!p0 $0x1C02  }
0x115: {  	[timem:s3], [sflag:s2] =	dma.local @!p0 [hbm:s0], s1  }
0x116: {  	s0 =	simm.s32 @!p0 $0x2  }
0x117: {  	_ =	swait.ge @!p0 [sflag:s0], s1  }
0x118: {  	s1 =	ssub.s32 @!p0 $0x0, s1;
	[sflag:s0] =	ssyncset.done @!p0 $0x0  }
0x119: {  	[sflag:s0] =	ssyncadd.s32 @!p0 s1  }
0x11a: {  	[bflag:$0x3] =	sbarrier.arrive $0xFFFF  }
0x11b: {  	_ =	shalt  }

</sc_bundles>
